<compile_context>
chip_gen: v7x
topology: tpu7x:2x2x1
jax: 0.10.2.dev20260603
libtpu: 0.0.44.dev20260713+nightly
codegen_flags: <defaults>
</compile_context>

<pallas_src>
import functools

import jax
import jax.numpy as jnp
from jax import lax
from jax.experimental import pallas as pl
from jax.experimental.pallas import tpu as pltpu
from jax.experimental.pallas import tpu_sc as plsc

N_NODES = 10000
N_EDGES = 320000
D = 128

NC = 2
NS = 16
NW = NC * NS

K = 64
NB = 4
LOOK = NB - 1
CH = 160
G = 8
NG = CH // G
EPAD = NW * CH * K
NPAD = 10240
ROWS_PER_TILE = NPAD // NS
ZROWS = 32


def _scale_kernel(h_ref, n_ref, o_ref):
    o_ref[...] = h_ref[...] * n_ref[...]


def _combine_kernel(h_ref, n_ref, p_ref, o_ref):
    nv = n_ref[...]
    hv = h_ref[...]
    o_ref[...] = hv + (hv * nv + p_ref[0] + p_ref[1]) * nv


def _sc_segment_sum(hn, eidx):
    mesh = plsc.VectorSubcoreMesh(core_axis_name="c", subcore_axis_name="s")

    @functools.partial(
        pl.kernel,
        out_type=jax.ShapeDtypeStruct((NC, N_NODES, D), jnp.float32),
        mesh=mesh,
        scratch_types=[
            pltpu.VMEM_SHARED((NPAD, D), jnp.float32),
            pltpu.VMEM((2, G, K), jnp.int32),
            pltpu.VMEM((2, G, K), jnp.int32),
            pltpu.VMEM((NB, K, D), jnp.float32),
            pltpu.VMEM((ZROWS, D), jnp.float32),
            pltpu.SemaphoreType.DMA((NB,)),
            pltpu.SemaphoreType.DMA((NB,)),
            pltpu.SemaphoreType.DMA,
        ],
    )
    def seg_sum(hn_hbm, eidx_hbm, out_hbm,
                acc, srcv, dstv, rows, zbuf, gsem, ssem, isem):
        c = lax.axis_index("c")
        s = lax.axis_index("s")
        wid = c * NS + s

        def load_group(g, buf):
            sl = pl.ds(wid * CH + g * G, G)
            return (pltpu.async_copy(eidx_hbm.at[0, sl], srcv.at[buf], isem),
                    pltpu.async_copy(eidx_hbm.at[1, sl], dstv.at[buf], isem))

        def wait_group(g, buf):
            sl = pl.ds(wid * CH + g * G, G)
            pltpu.make_async_copy(eidx_hbm.at[0, sl], srcv.at[buf],
                                  isem).wait()
            pltpu.make_async_copy(eidx_hbm.at[1, sl], dstv.at[buf],
                                  isem).wait()

        def issue_gather(gbuf, r, b):
            pltpu.async_copy(hn_hbm.at[srcv.at[gbuf, r]], rows.at[b],
                             gsem.at[b])

        def wait_gather(gbuf, r, b):
            pltpu.make_async_copy(hn_hbm.at[srcv.at[gbuf, r]], rows.at[b],
                                  gsem.at[b]).wait()

        def issue_scatter(gbuf, r, b):
            pltpu.async_copy(rows.at[b], acc.at[dstv.at[gbuf, r]],
                             ssem.at[b], add=True)

        def wait_scatter(gbuf, r, b):
            pltpu.make_async_copy(rows.at[b], acc.at[dstv.at[gbuf, r]],
                                  ssem.at[b]).wait()

        load_group(0, 0)

        @pl.loop(0, ZROWS)
        def _(i):
            @pl.loop(0, D // 16)
            def _(j):
                zbuf[i, pl.ds(j * 16, 16)] = jnp.zeros((16,), jnp.float32)

        @pl.loop(0, ROWS_PER_TILE // ZROWS)
        def _(i):
            pltpu.sync_copy(
                zbuf, acc.at[pl.ds(s * ROWS_PER_TILE + i * ZROWS, ZROWS)])

        plsc.subcore_barrier()
        wait_group(0, 0)

        @pl.loop(0, LOOK)
        def _(r):
            issue_gather(0, r, r)

        @pl.loop(0, NG)
        def _(g):
            bg = lax.rem(g, 2)
            nbg = 1 - bg

            @pl.when(g + 1 < NG)
            def _():
                load_group(g + 1, nbg)

            @pl.loop(0, G)
            def _(r):
                j = g * G + r
                b = lax.rem(j, NB)
                lb = lax.rem(j + LOOK, NB)

                @pl.when(jnp.logical_and(r == G - LOOK, g + 1 < NG))
                def _():
                    wait_group(g + 1, nbg)

                @pl.when(jnp.logical_and(j >= 1, j + LOOK < CH))
                def _():
                    pj = j - 1
                    pg = pj // G
                    wait_scatter(lax.rem(pg, 2), pj - pg * G, lb)

                @pl.when(r + LOOK < G)
                def _():
                    issue_gather(bg, r + LOOK, lb)

                @pl.when(jnp.logical_and(r + LOOK >= G, g + 1 < NG))
                def _():
                    issue_gather(nbg, r + LOOK - G, lb)

                wait_gather(bg, r, b)
                issue_scatter(bg, r, b)

        @pl.loop(CH - NB, CH)
        def _(j):
            g = j // G
            wait_scatter(lax.rem(g, 2), j - g * G, lax.rem(j, NB))

        plsc.subcore_barrier()

        @pl.when(s < NS - 1)
        def _():
            pltpu.sync_copy(
                acc.at[pl.ds(s * ROWS_PER_TILE, ROWS_PER_TILE)],
                out_hbm.at[c, pl.ds(s * ROWS_PER_TILE, ROWS_PER_TILE)])

        @pl.when(s == NS - 1)
        def _():
            last = N_NODES - (NS - 1) * ROWS_PER_TILE
            pltpu.sync_copy(
                acc.at[pl.ds((NS - 1) * ROWS_PER_TILE, last)],
                out_hbm.at[c, pl.ds((NS - 1) * ROWS_PER_TILE, last)])

    return seg_sum(hn, eidx)


@jax.jit
def kernel(h, norm, edge_index):
    npad_e = EPAD - N_EDGES
    pad_iota = jnp.arange(npad_e, dtype=jnp.int32)
    pad = jnp.stack([pad_iota % N_NODES, N_NODES + pad_iota % (NPAD - N_NODES)])
    eidx = jnp.concatenate([edge_index.astype(jnp.int32), pad], axis=1)
    eidx = eidx.reshape(2, NW * CH, K)

    hn = pl.pallas_call(
        _scale_kernel,
        out_shape=jax.ShapeDtypeStruct((N_NODES, D), jnp.float32),
    )(h, norm)

    partials = _sc_segment_sum(hn, eidx)

    return pl.pallas_call(
        _combine_kernel,
        out_shape=jax.ShapeDtypeStruct((N_NODES, D), jnp.float32),
    )(h, norm, partials)

# --- scband reference (transcript-rebuilt; emitter-appended) ---
"""Pipeline reference for scband-simple-ginlayer-44744969290327 (READ-ONLY COPY).

The authoritative reference and input builder live on the scoring server;
editing this copy changes nothing except your own understanding.
"""

import jax, jax.numpy as jnp
import numpy as np

N_NODES = 10000
N_EDGES = 320000
D = 128
EPS = 0.0  # init_eps=0, learn_eps=False (registered buffer, constant)
RESIDUAL = True  # indim == outdim so residual stays enabled


def setup_inputs(seed: int = 0) -> dict:
    key = jax.random.key(seed)
    k1, k2, k3 = jax.random.split(key, 3)
    h = jax.random.normal(k1, (N_NODES, D), dtype=jnp.float32)
    norm = jax.random.uniform(k2, (N_NODES, 1), dtype=jnp.float32)
    edge_index = jax.random.randint(k3, (2, N_EDGES), 0, N_NODES, dtype=jnp.int64)
    return {"h": h, "norm": norm, "edge_index": edge_index}


def reference(h, norm, edge_index):
    # DGL GIN layer with copy_u + fn.sum reducer
    src = edge_index[0]
    dst = edge_index[1]
    h_in = h
    h = h * norm
    # g.update_all(fn.copy_u('h','m'), fn.sum('m','neigh'))
    messages = jnp.take(h, src, axis=0)            # gather source features
    neigh = jax.ops.segment_sum(messages, dst, num_segments=N_NODES)  # scatter-add to dst
    h = (1.0 + EPS) * h + neigh
    h = h * norm
    if RESIDUAL:
        h = h_in + h
    return h

if __name__ == "__main__":
    import jax
    _d = setup_inputs()
    print(jax.jit(kernel)(*tuple(_d.values())))

</pallas_src>

<mosaic_0001>
#map = affine_map<(d0, d1) -> (0, 0)>
#map1 = affine_map<(d0, d1) -> (0, 0, 0)>
module attributes {stable_mosaic.version = 14 : i64} {
  func.func @seg_sum(%arg0: i32, %arg1: i32, %arg2: memref<10000x128xf32, #tpu.memory_space<hbm>>, %arg3: memref<2x5120x64xi32, #tpu.memory_space<hbm>>, %arg4: memref<2x10000x128xf32, #tpu.memory_space<hbm>>, %arg5: memref<10240x128xf32, #tpu.memory_space<vmem_shared>>, %arg6: memref<2x8x64xi32, #tpu.memory_space<vmem>>, %arg7: memref<2x8x64xi32, #tpu.memory_space<vmem>>, %arg8: memref<4x64x128xf32, #tpu.memory_space<vmem>>, %arg9: memref<32x128xf32, #tpu.memory_space<vmem>>, %arg10: memref<4x!tpu.dma_semaphore, #tpu.memory_space<semaphore_mem>>, %arg11: memref<4x!tpu.dma_semaphore, #tpu.memory_space<semaphore_mem>>, %arg12: memref<!tpu.dma_semaphore, #tpu.memory_space<semaphore_mem>>) attributes {dimension_semantics = [#tpu.dimension_semantics<core_parallel>, #tpu.dimension_semantics<subcore_parallel>], iteration_bounds = array<i64: 2, 16>, scalar_prefetch = 0 : i64, scratch_operands = 8 : i64, tpu.core_type = #tpu.core_type<sc_vector_subcore>, window_params = [{transform_indices = #map}, {transform_indices = #map1}, {transform_indices = #map1}]} {
    %mul3A = arith.constant 16 : i32
    %mul3A_0 = arith.muli %arg0, %mul3A : i32
    %add3A = arith.addi %mul3A_0, %arg1 : i32
    %mul3A_1 = arith.constant 160 : i32
    %mul3A_2 = arith.muli %add3A, %mul3A_1 : i32
    %add3A_3 = arith.constant 0 : i32
    %add3A_4 = arith.addi %mul3A_2, %add3A_3 : i32
    %dma_start3A = arith.constant 0 : i32
    %dma_start3A_5 = arith.constant 0 : i32
    %dma_start3A_6 = arith.constant 0 : i32
    %dma_start3A_7 = arith.constant 0 : i32
    %dma_start3A_8 = tpu.memref_slice %arg6[%dma_start3A_5, %dma_start3A_6, %dma_start3A_7] : memref<2x8x64xi32, #tpu.memory_space<vmem>> -> memref<1x8x64xi32, #tpu.memory_space<vmem>>
    %dma_start3A_9 = tpu.memref_squeeze %dma_start3A_8 : memref<1x8x64xi32, #tpu.memory_space<vmem>> -> memref<8x64xi32, #tpu.memory_space<vmem>>
    %dma_start3A_10 = arith.constant 0 : i32
    %dma_start3A_11 = tpu.memref_slice %arg3[%dma_start3A, %add3A_4, %dma_start3A_10] : memref<2x5120x64xi32, #tpu.memory_space<hbm>> -> memref<1x8x64xi32, #tpu.memory_space<hbm>>
    %dma_start3A_12 = tpu.memref_squeeze %dma_start3A_11 : memref<1x8x64xi32, #tpu.memory_space<hbm>> -> memref<8x64xi32, #tpu.memory_space<hbm>>
    %dma_start3A_13 = arith.constant 0 : i32
    %dma_start3A_14 = arith.constant 0 : i32
    %dma_start3A_15 = tpu.memref_slice %arg6[%dma_start3A_5, %dma_start3A_13, %dma_start3A_14] : memref<2x8x64xi32, #tpu.memory_space<vmem>> -> memref<1x8x64xi32, #tpu.memory_space<vmem>>
    %dma_start3A_16 = tpu.memref_squeeze %dma_start3A_15 : memref<1x8x64xi32, #tpu.memory_space<vmem>> -> memref<8x64xi32, #tpu.memory_space<vmem>>
    %dma_start3A_17 = arith.constant 0 : i32
    %dma_start3A_18 = tpu.memref_slice %arg3[%dma_start3A, %add3A_4, %dma_start3A_17] : memref<2x5120x64xi32, #tpu.memory_space<hbm>> -> memref<1x8x64xi32, #tpu.memory_space<hbm>>
    %dma_start3A_19 = tpu.memref_squeeze %dma_start3A_18 : memref<1x8x64xi32, #tpu.memory_space<hbm>> -> memref<8x64xi32, #tpu.memory_space<hbm>>
    tpu.enqueue_dma source(%dma_start3A_19 : memref<8x64xi32, #tpu.memory_space<hbm>>) target(%dma_start3A_16 : memref<8x64xi32, #tpu.memory_space<vmem>>) target_semaphore(%arg12 : memref<!tpu.dma_semaphore, #tpu.memory_space<semaphore_mem>>)
    %dma_start3A_20 = arith.constant 1 : i32
    %dma_start3A_21 = arith.constant 0 : i32
    %dma_start3A_22 = arith.constant 0 : i32
    %dma_start3A_23 = arith.constant 0 : i32
    %dma_start3A_24 = tpu.memref_slice %arg7[%dma_start3A_21, %dma_start3A_22, %dma_start3A_23] : memref<2x8x64xi32, #tpu.memory_space<vmem>> -> memref<1x8x64xi32, #tpu.memory_space<vmem>>
    %dma_start3A_25 = tpu.memref_squeeze %dma_start3A_24 : memref<1x8x64xi32, #tpu.memory_space<vmem>> -> memref<8x64xi32, #tpu.memory_space<vmem>>
    %dma_start3A_26 = arith.constant 0 : i32
    %dma_start3A_27 = tpu.memref_slice %arg3[%dma_start3A_20, %add3A_4, %dma_start3A_26] : memref<2x5120x64xi32, #tpu.memory_space<hbm>> -> memref<1x8x64xi32, #tpu.memory_space<hbm>>
    %dma_start3A_28 = tpu.memref_squeeze %dma_start3A_27 : memref<1x8x64xi32, #tpu.memory_space<hbm>> -> memref<8x64xi32, #tpu.memory_space<hbm>>
    %dma_start3A_29 = arith.constant 0 : i32
    %dma_start3A_30 = arith.constant 0 : i32
    %dma_start3A_31 = tpu.memref_slice %arg7[%dma_start3A_21, %dma_start3A_29, %dma_start3A_30] : memref<2x8x64xi32, #tpu.memory_space<vmem>> -> memref<1x8x64xi32, #tpu.memory_space<vmem>>
    %dma_start3A_32 = tpu.memref_squeeze %dma_start3A_31 : memref<1x8x64xi32, #tpu.memory_space<vmem>> -> memref<8x64xi32, #tpu.memory_space<vmem>>
    %dma_start3A_33 = arith.constant 0 : i32
    %dma_start3A_34 = tpu.memref_slice %arg3[%dma_start3A_20, %add3A_4, %dma_start3A_33] : memref<2x5120x64xi32, #tpu.memory_space<hbm>> -> memref<1x8x64xi32, #tpu.memory_space<hbm>>
    %dma_start3A_35 = tpu.memref_squeeze %dma_start3A_34 : memref<1x8x64xi32, #tpu.memory_space<hbm>> -> memref<8x64xi32, #tpu.memory_space<hbm>>
    tpu.enqueue_dma source(%dma_start3A_35 : memref<8x64xi32, #tpu.memory_space<hbm>>) target(%dma_start3A_32 : memref<8x64xi32, #tpu.memory_space<vmem>>) target_semaphore(%arg12 : memref<!tpu.dma_semaphore, #tpu.memory_space<semaphore_mem>>)
    %scan3A = arith.constant 0 : i32
    %scan3A_36 = arith.constant 32 : i32
    %scan3A_37 = arith.addi %scan3A, %scan3A_36 : i32
    %scan3A_38 = arith.constant 1 : i32
    scf.for %scan3A_102 = %scan3A to %scan3A_37 step %scan3A_38  : i32 {
      %mul3A_103 = arith.constant 1 : i32
      %mul3A_104 = arith.muli %scan3A_102, %mul3A_103 : i32
      %add3A_105 = arith.constant 0 : i32
      %add3A_106 = arith.addi %add3A_105, %mul3A_104 : i32
      %scan3A_107 = arith.constant 0 : i32
      %scan3A_108 = arith.constant 8 : i32
      %scan3A_109 = arith.addi %scan3A_107, %scan3A_108 : i32
      %scan3A_110 = arith.constant 1 : i32
      scf.for %scan3A_112 = %scan3A_107 to %scan3A_109 step %scan3A_110  : i32 {
        %mul3A_113 = arith.constant 1 : i32
        %mul3A_114 = arith.muli %scan3A_112, %mul3A_113 : i32
        %add3A_115 = arith.constant 0 : i32
        %add3A_116 = arith.addi %add3A_115, %mul3A_114 : i32
        %broadcast_in_dim3A = arith.constant 0.000000e+00 : f32
        %broadcast_in_dim3A_117 = vector.broadcast %broadcast_in_dim3A : f32 to vector<16xf32>
        %mul3A_118 = arith.constant 16 : i32
        %mul3A_119 = arith.muli %add3A_116, %mul3A_118 : i32
        %swap3A = arith.index_cast %add3A_106 : i32 to index
        %swap3A_120 = arith.index_cast %mul3A_119 : i32 to index
        %swap3A_121 = tpu.vector_load %arg9[%swap3A, %swap3A_120] {strides = array<i32>} : memref<32x128xf32, #tpu.memory_space<vmem>>, vector<1x16xf32>,
        %swap3A_122 = vector.shape_cast %swap3A_121 : vector<1x16xf32> to vector<16xf32>
        %swap3A_123 = vector.shape_cast %broadcast_in_dim3A_117 : vector<16xf32> to vector<1x16xf32>
        tpu.vector_store %arg9[%swap3A, %swap3A_120], %swap3A_123 {strides = array<i32>} : memref<32x128xf32, #tpu.memory_space<vmem>>, vector<1x16xf32>,
      }
      %scan3A_111 = arith.constant 8 : i32
    }
    %scan3A_39 = arith.constant 32 : i32
    %scan3A_40 = arith.constant 0 : i32
    %scan3A_41 = arith.constant 20 : i32
    %scan3A_42 = arith.addi %scan3A_40, %scan3A_41 : i32
    %scan3A_43 = arith.constant 1 : i32
    scf.for %scan3A_102 = %scan3A_40 to %scan3A_42 step %scan3A_43  : i32 {
      %mul3A_103 = arith.constant 1 : i32
      %mul3A_104 = arith.muli %scan3A_102, %mul3A_103 : i32
      %add3A_105 = arith.constant 0 : i32
      %add3A_106 = arith.addi %add3A_105, %mul3A_104 : i32
      %mul3A_107 = arith.constant 640 : i32
      %mul3A_108 = arith.muli %arg1, %mul3A_107 : i32
      %mul3A_109 = arith.constant 32 : i32
      %mul3A_110 = arith.muli %add3A_106, %mul3A_109 : i32
      %add3A_111 = arith.addi %mul3A_108, %mul3A_110 : i32
      "tpu.region"() ({
        %run_scoped3A = tpu.sem_alloc : memref<!tpu.dma_semaphore, #tpu.memory_space<semaphore_mem>>
        %dma_start3A_112 = arith.constant 0 : i32
        %dma_start3A_113 = tpu.memref_slice %arg5[%add3A_111, %dma_start3A_112] : memref<10240x128xf32, #tpu.memory_space<vmem_shared>> -> memref<32x128xf32, #tpu.memory_space<vmem_shared>>
        %dma_start3A_114 = arith.constant 0 : i32
        %dma_start3A_115 = tpu.memref_slice %arg5[%add3A_111, %dma_start3A_114] : memref<10240x128xf32, #tpu.memory_space<vmem_shared>> -> memref<32x128xf32, #tpu.memory_space<vmem_shared>>
        tpu.enqueue_dma source(%arg9 : memref<32x128xf32, #tpu.memory_space<vmem>>) target(%dma_start3A_115 : memref<32x128xf32, #tpu.memory_space<vmem_shared>>) target_semaphore(%run_scoped3A : memref<!tpu.dma_semaphore, #tpu.memory_space<semaphore_mem>>)
        %dma_wait3A_116 = arith.constant 0 : i32
        %dma_wait3A_117 = tpu.memref_slice %arg5[%add3A_111, %dma_wait3A_116] : memref<10240x128xf32, #tpu.memory_space<vmem_shared>> -> memref<32x128xf32, #tpu.memory_space<vmem_shared>>
        %dma_wait3A_118 = arith.constant 0 : i32
        %dma_wait3A_119 = tpu.memref_slice %arg5[%add3A_111, %dma_wait3A_118] : memref<10240x128xf32, #tpu.memory_space<vmem_shared>> -> memref<32x128xf32, #tpu.memory_space<vmem_shared>>
        tpu.wait_dma2 semaphore(%run_scoped3A : memref<!tpu.dma_semaphore, #tpu.memory_space<semaphore_mem>>) src(%arg9 : memref<32x128xf32, #tpu.memory_space<vmem>>) dst(%dma_wait3A_119 : memref<32x128xf32, #tpu.memory_space<vmem_shared>>)
        tpu.yield
      }) : () -> ()
    }
    %scan3A_44 = arith.constant 20 : i32
    %barrier3A = arith.constant 0 : index
    tpu.barrier barrier_id(%barrier3A)
    %mul3A_45 = arith.constant 160 : i32
    %mul3A_46 = arith.muli %add3A, %mul3A_45 : i32
    %add3A_47 = arith.constant 0 : i32
    %add3A_48 = arith.addi %mul3A_46, %add3A_47 : i32
    %dma_wait3A = arith.constant 0 : i32
    %dma_wait3A_49 = arith.constant 0 : i32
    %dma_wait3A_50 = arith.constant 0 : i32
    %dma_wait3A_51 = arith.constant 0 : i32
    %dma_wait3A_52 = tpu.memref_slice %arg6[%dma_wait3A_49, %dma_wait3A_50, %dma_wait3A_51] : memref<2x8x64xi32, #tpu.memory_space<vmem>> -> memref<1x8x64xi32, #tpu.memory_space<vmem>>
    %dma_wait3A_53 = tpu.memref_squeeze %dma_wait3A_52 : memref<1x8x64xi32, #tpu.memory_space<vmem>> -> memref<8x64xi32, #tpu.memory_space<vmem>>
    %dma_wait3A_54 = arith.constant 0 : i32
    %dma_wait3A_55 = tpu.memref_slice %arg3[%dma_wait3A, %add3A_48, %dma_wait3A_54] : memref<2x5120x64xi32, #tpu.memory_space<hbm>> -> memref<1x8x64xi32, #tpu.memory_space<hbm>>
    %dma_wait3A_56 = tpu.memref_squeeze %dma_wait3A_55 : memref<1x8x64xi32, #tpu.memory_space<hbm>> -> memref<8x64xi32, #tpu.memory_space<hbm>>
    %dma_wait3A_57 = arith.constant 0 : i32
    %dma_wait3A_58 = arith.constant 0 : i32
    %dma_wait3A_59 = tpu.memref_slice %arg6[%dma_wait3A_49, %dma_wait3A_57, %dma_wait3A_58] : memref<2x8x64xi32, #tpu.memory_space<vmem>> -> memref<1x8x64xi32, #tpu.memory_space<vmem>>
    %dma_wait3A_60 = tpu.memref_squeeze %dma_wait3A_59 : memref<1x8x64xi32, #tpu.memory_space<vmem>> -> memref<8x64xi32, #tpu.memory_space<vmem>>
    %dma_wait3A_61 = arith.constant 0 : i32
    %dma_wait3A_62 = tpu.memref_slice %arg3[%dma_wait3A, %add3A_48, %dma_wait3A_61] : memref<2x5120x64xi32, #tpu.memory_space<hbm>> -> memref<1x8x64xi32, #tpu.memory_space<hbm>>
    %dma_wait3A_63 = tpu.memref_squeeze %dma_wait3A_62 : memref<1x8x64xi32, #tpu.memory_space<hbm>> -> memref<8x64xi32, #tpu.memory_space<hbm>>
    tpu.wait_dma2 semaphore(%arg12 : memref<!tpu.dma_semaphore, #tpu.memory_space<semaphore_mem>>) src(%dma_wait3A_63 : memref<8x64xi32, #tpu.memory_space<hbm>>) dst(%dma_wait3A_60 : memref<8x64xi32, #tpu.memory_space<vmem>>)
    %dma_wait3A_64 = arith.constant 1 : i32
    %dma_wait3A_65 = arith.constant 0 : i32
    %dma_wait3A_66 = arith.constant 0 : i32
    %dma_wait3A_67 = arith.constant 0 : i32
    %dma_wait3A_68 = tpu.memref_slice %arg7[%dma_wait3A_65, %dma_wait3A_66, %dma_wait3A_67] : memref<2x8x64xi32, #tpu.memory_space<vmem>> -> memref<1x8x64xi32, #tpu.memory_space<vmem>>
    %dma_wait3A_69 = tpu.memref_squeeze %dma_wait3A_68 : memref<1x8x64xi32, #tpu.memory_space<vmem>> -> memref<8x64xi32, #tpu.memory_space<vmem>>
    %dma_wait3A_70 = arith.constant 0 : i32
    %dma_wait3A_71 = tpu.memref_slice %arg3[%dma_wait3A_64, %add3A_48, %dma_wait3A_70] : memref<2x5120x64xi32, #tpu.memory_space<hbm>> -> memref<1x8x64xi32, #tpu.memory_space<hbm>>
    %dma_wait3A_72 = tpu.memref_squeeze %dma_wait3A_71 : memref<1x8x64xi32, #tpu.memory_space<hbm>> -> memref<8x64xi32, #tpu.memory_space<hbm>>
    %dma_wait3A_73 = arith.constant 0 : i32
    %dma_wait3A_74 = arith.constant 0 : i32
    %dma_wait3A_75 = tpu.memref_slice %arg7[%dma_wait3A_65, %dma_wait3A_73, %dma_wait3A_74] : memref<2x8x64xi32, #tpu.memory_space<vmem>> -> memref<1x8x64xi32, #tpu.memory_space<vmem>>
    %dma_wait3A_76 = tpu.memref_squeeze %dma_wait3A_75 : memref<1x8x64xi32, #tpu.memory_space<vmem>> -> memref<8x64xi32, #tpu.memory_space<vmem>>
    %dma_wait3A_77 = arith.constant 0 : i32
    %dma_wait3A_78 = tpu.memref_slice %arg3[%dma_wait3A_64, %add3A_48, %dma_wait3A_77] : memref<2x5120x64xi32, #tpu.memory_space<hbm>> -> memref<1x8x64xi32, #tpu.memory_space<hbm>>
    %dma_wait3A_79 = tpu.memref_squeeze %dma_wait3A_78 : memref<1x8x64xi32, #tpu.memory_space<hbm>> -> memref<8x64xi32, #tpu.memory_space<hbm>>
    tpu.wait_dma2 semaphore(%arg12 : memref<!tpu.dma_semaphore, #tpu.memory_space<semaphore_mem>>) src(%dma_wait3A_79 : memref<8x64xi32, #tpu.memory_space<hbm>>) dst(%dma_wait3A_76 : memref<8x64xi32, #tpu.memory_space<vmem>>)
    %scan3A_80 = arith.constant 0 : i32
    %scan3A_81 = arith.constant 3 : i32
    %scan3A_82 = arith.addi %scan3A_80, %scan3A_81 : i32
    %scan3A_83 = arith.constant 1 : i32
    scf.for %scan3A_102 = %scan3A_80 to %scan3A_82 step %scan3A_83  : i32 {
      %mul3A_103 = arith.constant 1 : i32
      %mul3A_104 = arith.muli %scan3A_102, %mul3A_103 : i32
      %add3A_105 = arith.constant 0 : i32
      %add3A_106 = arith.addi %add3A_105, %mul3A_104 : i32
      %dma_start3A_107 = arith.constant 0 : i32
      %dma_start3A_108 = arith.constant 0 : i32
      %dma_start3A_109 = arith.constant 0 : i32
      %dma_start3A_110 = tpu.memref_slice %arg8[%add3A_106, %dma_start3A_108, %dma_start3A_109] : memref<4x64x128xf32, #tpu.memory_space<vmem>> -> memref<1x64x128xf32, #tpu.memory_space<vmem>>
      %dma_start3A_111 = tpu.memref_squeeze %dma_start3A_110 : memref<1x64x128xf32, #tpu.memory_space<vmem>> -> memref<64x128xf32, #tpu.memory_space<vmem>>
      %dma_start3A_112 = arith.constant 0 : i32
      %dma_start3A_113 = tpu.memref_slice %arg6[%dma_start3A_107, %add3A_106, %dma_start3A_112] : memref<2x8x64xi32, #tpu.memory_space<vmem>> -> memref<1x1x64xi32, #tpu.memory_space<vmem>>
      %dma_start3A_114 = tpu.memref_squeeze %dma_start3A_113 : memref<1x1x64xi32, #tpu.memory_space<vmem>> -> memref<64xi32, #tpu.memory_space<vmem>>
      %dma_start3A_115 = arith.constant 0 : i32
      %dma_start3A_116 = arith.constant 0 : i32
      %dma_start3A_117 = tpu.memref_slice %arg2[%dma_start3A_115, %dma_start3A_116] : memref<10000x128xf32, #tpu.memory_space<hbm>> -> memref<10000x128xf32, #tpu.memory_space<hbm>>
      %dma_start3A_118 = tpu.memref_slice %arg10[%add3A_106] : memref<4x!tpu.dma_semaphore, #tpu.memory_space<semaphore_mem>> -> memref<1x!tpu.dma_semaphore, #tpu.memory_space<semaphore_mem>>
      %dma_start3A_119 = tpu.memref_squeeze %dma_start3A_118 : memref<1x!tpu.dma_semaphore, #tpu.memory_space<semaphore_mem>> -> memref<!tpu.dma_semaphore, #tpu.memory_space<semaphore_mem>>
      tpu.enqueue_indirect_dma source(%dma_start3A_117 : memref<10000x128xf32, #tpu.memory_space<hbm>>) target(%dma_start3A_111 : memref<64x128xf32, #tpu.memory_space<vmem>>) offsets(%dma_start3A_114 : memref<64xi32, #tpu.memory_space<vmem>>) semaphore(%dma_start3A_119 : memref<!tpu.dma_semaphore, #tpu.memory_space<semaphore_mem>>)
    }
    %scan3A_84 = arith.constant 3 : i32
    %scan3A_85 = arith.constant 0 : i32
    %scan3A_86 = arith.constant 20 : i32
    %scan3A_87 = arith.addi %scan3A_85, %scan3A_86 : i32
    %scan3A_88 = arith.constant 1 : i32
    scf.for %scan3A_102 = %scan3A_85 to %scan3A_87 step %scan3A_88  : i32 {
      %mul3A_103 = arith.constant 1 : i32
      %mul3A_104 = arith.muli %scan3A_102, %mul3A_103 : i32
      %add3A_105 = arith.constant 0 : i32
      %add3A_106 = arith.addi %add3A_105, %mul3A_104 : i32
      %rem3A = arith.constant 2 : i32
      %rem3A_107 = arith.remsi %add3A_106, %rem3A : i32
      %sub3A = arith.constant 1 : i32
      %sub3A_108 = arith.subi %sub3A, %rem3A_107 : i32
      %add3A_109 = arith.constant 1 : i32
      %add3A_110 = arith.addi %add3A_106, %add3A_109 : i32
      %lt3A_111 = arith.constant 20 : i32
      %lt3A_112 = arith.cmpi slt, %add3A_110, %lt3A_111 : i32
      %convert_element_type3A_113 = arith.extui %lt3A_112 : i1 to i32
      %cond3A_114 = arith.constant 0 : i32
      %cond3A_115 = arith.cmpi ne, %convert_element_type3A_113, %cond3A_114 : i32
      scf.if %cond3A_115 {
        %add3A_121 = arith.constant 1 : i32
        %add3A_122 = arith.addi %add3A_106, %add3A_121 : i32
        %mul3A_123 = arith.constant 160 : i32
        %mul3A_124 = arith.muli %add3A, %mul3A_123 : i32
        %mul3A_125 = arith.constant 8 : i32
        %mul3A_126 = arith.muli %add3A_122, %mul3A_125 : i32
        %add3A_127 = arith.addi %mul3A_124, %mul3A_126 : i32
        %dma_start3A_128 = arith.constant 0 : i32
        %dma_start3A_129 = arith.constant 0 : i32
        %dma_start3A_130 = arith.constant 0 : i32
        %dma_start3A_131 = tpu.memref_slice %arg6[%sub3A_108, %dma_start3A_129, %dma_start3A_130] : memref<2x8x64xi32, #tpu.memory_space<vmem>> -> memref<1x8x64xi32, #tpu.memory_space<vmem>>
        %dma_start3A_132 = tpu.memref_squeeze %dma_start3A_131 : memref<1x8x64xi32, #tpu.memory_space<vmem>> -> memref<8x64xi32, #tpu.memory_space<vmem>>
        %dma_start3A_133 = arith.constant 0 : i32
        %dma_start3A_134 = tpu.memref_slice %arg3[%dma_start3A_128, %add3A_127, %dma_start3A_133] : memref<2x5120x64xi32, #tpu.memory_space<hbm>> -> memref<1x8x64xi32, #tpu.memory_space<hbm>>
        %dma_start3A_135 = tpu.memref_squeeze %dma_start3A_134 : memref<1x8x64xi32, #tpu.memory_space<hbm>> -> memref<8x64xi32, #tpu.memory_space<hbm>>
        %dma_start3A_136 = arith.constant 0 : i32
        %dma_start3A_137 = arith.constant 0 : i32
        %dma_start3A_138 = tpu.memref_slice %arg6[%sub3A_108, %dma_start3A_136, %dma_start3A_137] : memref<2x8x64xi32, #tpu.memory_space<vmem>> -> memref<1x8x64xi32, #tpu.memory_space<vmem>>
        %dma_start3A_139 = tpu.memref_squeeze %dma_start3A_138 : memref<1x8x64xi32, #tpu.memory_space<vmem>> -> memref<8x64xi32, #tpu.memory_space<vmem>>
        %dma_start3A_140 = arith.constant 0 : i32
        %dma_start3A_141 = tpu.memref_slice %arg3[%dma_start3A_128, %add3A_127, %dma_start3A_140] : memref<2x5120x64xi32, #tpu.memory_space<hbm>> -> memref<1x8x64xi32, #tpu.memory_space<hbm>>
        %dma_start3A_142 = tpu.memref_squeeze %dma_start3A_141 : memref<1x8x64xi32, #tpu.memory_space<hbm>> -> memref<8x64xi32, #tpu.memory_space<hbm>>
        tpu.enqueue_dma source(%dma_start3A_142 : memref<8x64xi32, #tpu.memory_space<hbm>>) target(%dma_start3A_139 : memref<8x64xi32, #tpu.memory_space<vmem>>) target_semaphore(%arg12 : memref<!tpu.dma_semaphore, #tpu.memory_space<semaphore_mem>>)
        %dma_start3A_143 = arith.constant 1 : i32
        %dma_start3A_144 = arith.constant 0 : i32
        %dma_start3A_145 = arith.constant 0 : i32
        %dma_start3A_146 = tpu.memref_slice %arg7[%sub3A_108, %dma_start3A_144, %dma_start3A_145] : memref<2x8x64xi32, #tpu.memory_space<vmem>> -> memref<1x8x64xi32, #tpu.memory_space<vmem>>
        %dma_start3A_147 = tpu.memref_squeeze %dma_start3A_146 : memref<1x8x64xi32, #tpu.memory_space<vmem>> -> memref<8x64xi32, #tpu.memory_space<vmem>>
        %dma_start3A_148 = arith.constant 0 : i32
        %dma_start3A_149 = tpu.memref_slice %arg3[%dma_start3A_143, %add3A_127, %dma_start3A_148] : memref<2x5120x64xi32, #tpu.memory_space<hbm>> -> memref<1x8x64xi32, #tpu.memory_space<hbm>>
        %dma_start3A_150 = tpu.memref_squeeze %dma_start3A_149 : memref<1x8x64xi32, #tpu.memory_space<hbm>> -> memref<8x64xi32, #tpu.memory_space<hbm>>
        %dma_start3A_151 = arith.constant 0 : i32
        %dma_start3A_152 = arith.constant 0 : i32
        %dma_start3A_153 = tpu.memref_slice %arg7[%sub3A_108, %dma_start3A_151, %dma_start3A_152] : memref<2x8x64xi32, #tpu.memory_space<vmem>> -> memref<1x8x64xi32, #tpu.memory_space<vmem>>
        %dma_start3A_154 = tpu.memref_squeeze %dma_start3A_153 : memref<1x8x64xi32, #tpu.memory_space<vmem>> -> memref<8x64xi32, #tpu.memory_space<vmem>>
        %dma_start3A_155 = arith.constant 0 : i32
        %dma_start3A_156 = tpu.memref_slice %arg3[%dma_start3A_143, %add3A_127, %dma_start3A_155] : memref<2x5120x64xi32, #tpu.memory_space<hbm>> -> memref<1x8x64xi32, #tpu.memory_space<hbm>>
        %dma_start3A_157 = tpu.memref_squeeze %dma_start3A_156 : memref<1x8x64xi32, #tpu.memory_space<hbm>> -> memref<8x64xi32, #tpu.memory_space<hbm>>
        tpu.enqueue_dma source(%dma_start3A_157 : memref<8x64xi32, #tpu.memory_space<hbm>>) target(%dma_start3A_154 : memref<8x64xi32, #tpu.memory_space<vmem>>) target_semaphore(%arg12 : memref<!tpu.dma_semaphore, #tpu.memory_space<semaphore_mem>>)
      } else {
      }
      %scan3A_116 = arith.constant 0 : i32
      %scan3A_117 = arith.constant 8 : i32
      %scan3A_118 = arith.addi %scan3A_116, %scan3A_117 : i32
      %scan3A_119 = arith.constant 1 : i32
      scf.for %scan3A_121 = %scan3A_116 to %scan3A_118 step %scan3A_119  : i32 {
        %mul3A_122 = arith.constant 1 : i32
        %mul3A_123 = arith.muli %scan3A_121, %mul3A_122 : i32
        %add3A_124 = arith.constant 0 : i32
        %add3A_125 = arith.addi %add3A_124, %mul3A_123 : i32
        %mul3A_126 = arith.constant 8 : i32
        %mul3A_127 = arith.muli %add3A_106, %mul3A_126 : i32
        %add3A_128 = arith.addi %mul3A_127, %add3A_125 : i32
        %rem3A_129 = arith.constant 4 : i32
        %rem3A_130 = arith.remsi %add3A_128, %rem3A_129 : i32
        %add3A_131 = arith.constant 3 : i32
        %add3A_132 = arith.addi %add3A_128, %add3A_131 : i32
        %rem3A_133 = arith.constant 4 : i32
        %rem3A_134 = arith.remsi %add3A_132, %rem3A_133 : i32
        %eq3A_135 = arith.constant 5 : i32
        %eq3A_136 = arith.cmpi eq, %add3A_125, %eq3A_135 : i32
        %add3A_137 = arith.constant 1 : i32
        %add3A_138 = arith.addi %add3A_106, %add3A_137 : i32
        %lt3A_139 = arith.constant 20 : i32
        %lt3A_140 = arith.cmpi slt, %add3A_138, %lt3A_139 : i32
        %and3A = arith.andi %eq3A_136, %lt3A_140 : i1
        %convert_element_type3A_141 = arith.extui %and3A : i1 to i32
        %cond3A_142 = arith.constant 0 : i32
        %cond3A_143 = arith.cmpi ne, %convert_element_type3A_141, %cond3A_142 : i32
        scf.if %cond3A_143 {
          %add3A_196 = arith.constant 1 : i32
          %add3A_197 = arith.addi %add3A_106, %add3A_196 : i32
          %mul3A_198 = arith.constant 160 : i32
          %mul3A_199 = arith.muli %add3A, %mul3A_198 : i32
          %mul3A_200 = arith.constant 8 : i32
          %mul3A_201 = arith.muli %add3A_197, %mul3A_200 : i32
          %add3A_202 = arith.addi %mul3A_199, %mul3A_201 : i32
          %dma_wait3A_203 = arith.constant 0 : i32
          %dma_wait3A_204 = arith.constant 0 : i32
          %dma_wait3A_205 = arith.constant 0 : i32
          %dma_wait3A_206 = tpu.memref_slice %arg6[%sub3A_108, %dma_wait3A_204, %dma_wait3A_205] : memref<2x8x64xi32, #tpu.memory_space<vmem>> -> memref<1x8x64xi32, #tpu.memory_space<vmem>>
          %dma_wait3A_207 = tpu.memref_squeeze %dma_wait3A_206 : memref<1x8x64xi32, #tpu.memory_space<vmem>> -> memref<8x64xi32, #tpu.memory_space<vmem>>
          %dma_wait3A_208 = arith.constant 0 : i32
          %dma_wait3A_209 = tpu.memref_slice %arg3[%dma_wait3A_203, %add3A_202, %dma_wait3A_208] : memref<2x5120x64xi32, #tpu.memory_space<hbm>> -> memref<1x8x64xi32, #tpu.memory_space<hbm>>
          %dma_wait3A_210 = tpu.memref_squeeze %dma_wait3A_209 : memref<1x8x64xi32, #tpu.memory_space<hbm>> -> memref<8x64xi32, #tpu.memory_space<hbm>>
          %dma_wait3A_211 = arith.constant 0 : i32
          %dma_wait3A_212 = arith.constant 0 : i32
          %dma_wait3A_213 = tpu.memref_slice %arg6[%sub3A_108, %dma_wait3A_211, %dma_wait3A_212] : memref<2x8x64xi32, #tpu.memory_space<vmem>> -> memref<1x8x64xi32, #tpu.memory_space<vmem>>
          %dma_wait3A_214 = tpu.memref_squeeze %dma_wait3A_213 : memref<1x8x64xi32, #tpu.memory_space<vmem>> -> memref<8x64xi32, #tpu.memory_space<vmem>>
          %dma_wait3A_215 = arith.constant 0 : i32
          %dma_wait3A_216 = tpu.memref_slice %arg3[%dma_wait3A_203, %add3A_202, %dma_wait3A_215] : memref<2x5120x64xi32, #tpu.memory_space<hbm>> -> memref<1x8x64xi32, #tpu.memory_space<hbm>>
          %dma_wait3A_217 = tpu.memref_squeeze %dma_wait3A_216 : memref<1x8x64xi32, #tpu.memory_space<hbm>> -> memref<8x64xi32, #tpu.memory_space<hbm>>
          tpu.wait_dma2 semaphore(%arg12 : memref<!tpu.dma_semaphore, #tpu.memory_space<semaphore_mem>>) src(%dma_wait3A_217 : memref<8x64xi32, #tpu.memory_space<hbm>>) dst(%dma_wait3A_214 : memref<8x64xi32, #tpu.memory_space<vmem>>)
          %dma_wait3A_218 = arith.constant 1 : i32
          %dma_wait3A_219 = arith.constant 0 : i32
          %dma_wait3A_220 = arith.constant 0 : i32
          %dma_wait3A_221 = tpu.memref_slice %arg7[%sub3A_108, %dma_wait3A_219, %dma_wait3A_220] : memref<2x8x64xi32, #tpu.memory_space<vmem>> -> memref<1x8x64xi32, #tpu.memory_space<vmem>>
          %dma_wait3A_222 = tpu.memref_squeeze %dma_wait3A_221 : memref<1x8x64xi32, #tpu.memory_space<vmem>> -> memref<8x64xi32, #tpu.memory_space<vmem>>
          %dma_wait3A_223 = arith.constant 0 : i32
          %dma_wait3A_224 = tpu.memref_slice %arg3[%dma_wait3A_218, %add3A_202, %dma_wait3A_223] : memref<2x5120x64xi32, #tpu.memory_space<hbm>> -> memref<1x8x64xi32, #tpu.memory_space<hbm>>
          %dma_wait3A_225 = tpu.memref_squeeze %dma_wait3A_224 : memref<1x8x64xi32, #tpu.memory_space<hbm>> -> memref<8x64xi32, #tpu.memory_space<hbm>>
          %dma_wait3A_226 = arith.constant 0 : i32
          %dma_wait3A_227 = arith.constant 0 : i32
          %dma_wait3A_228 = tpu.memref_slice %arg7[%sub3A_108, %dma_wait3A_226, %dma_wait3A_227] : memref<2x8x64xi32, #tpu.memory_space<vmem>> -> memref<1x8x64xi32, #tpu.memory_space<vmem>>
          %dma_wait3A_229 = tpu.memref_squeeze %dma_wait3A_228 : memref<1x8x64xi32, #tpu.memory_space<vmem>> -> memref<8x64xi32, #tpu.memory_space<vmem>>
          %dma_wait3A_230 = arith.constant 0 : i32
          %dma_wait3A_231 = tpu.memref_slice %arg3[%dma_wait3A_218, %add3A_202, %dma_wait3A_230] : memref<2x5120x64xi32, #tpu.memory_space<hbm>> -> memref<1x8x64xi32, #tpu.memory_space<hbm>>
          %dma_wait3A_232 = tpu.memref_squeeze %dma_wait3A_231 : memref<1x8x64xi32, #tpu.memory_space<hbm>> -> memref<8x64xi32, #tpu.memory_space<hbm>>
          tpu.wait_dma2 semaphore(%arg12 : memref<!tpu.dma_semaphore, #tpu.memory_space<semaphore_mem>>) src(%dma_wait3A_232 : memref<8x64xi32, #tpu.memory_space<hbm>>) dst(%dma_wait3A_229 : memref<8x64xi32, #tpu.memory_space<vmem>>)
        } else {
        }
        %ge3A = arith.constant 1 : i32
        %ge3A_144 = arith.cmpi sge, %add3A_128, %ge3A : i32
        %add3A_145 = arith.constant 3 : i32
        %add3A_146 = arith.addi %add3A_128, %add3A_145 : i32
        %lt3A_147 = arith.constant 160 : i32
        %lt3A_148 = arith.cmpi slt, %add3A_146, %lt3A_147 : i32
        %and3A_149 = arith.andi %ge3A_144, %lt3A_148 : i1
        %convert_element_type3A_150 = arith.extui %and3A_149 : i1 to i32
        %cond3A_151 = arith.constant 0 : i32
        %cond3A_152 = arith.cmpi ne, %convert_element_type3A_150, %cond3A_151 : i32
        scf.if %cond3A_152 {
          %sub3A_196 = arith.constant 1 : i32
          %sub3A_197 = arith.subi %add3A_128, %sub3A_196 : i32
          %jit3A = arith.constant 8 : i32
          %div3A = arith.divsi %sub3A_197, %jit3A : i32
          %sign3A = arith.constant 0 : i32
          %sign3A_198 = arith.cmpi sgt, %sub3A_197, %sign3A : i32
          %sign3A_199 = arith.extui %sign3A_198 : i1 to i32
          %sign3A_200 = arith.constant 0 : i32
          %sign3A_201 = arith.cmpi slt, %sub3A_197, %sign3A_200 : i32
          %sign3A_202 = arith.extui %sign3A_201 : i1 to i32
          %sign3A_203 = arith.subi %sign3A_199, %sign3A_202 : i32
          %sign3A_204 = arith.constant 0 : i32
          %sign3A_205 = arith.cmpi sgt, %jit3A, %sign3A_204 : i32
          %sign3A_206 = arith.extui %sign3A_205 : i1 to i32
          %sign3A_207 = arith.constant 0 : i32
          %sign3A_208 = arith.cmpi slt, %jit3A, %sign3A_207 : i32
          %sign3A_209 = arith.extui %sign3A_208 : i1 to i32
          %sign3A_210 = arith.subi %sign3A_206, %sign3A_209 : i32
          %ne3A = arith.cmpi ne, %sign3A_203, %sign3A_210 : i32
          %rem3A_211 = arith.remsi %sub3A_197, %jit3A : i32
          %ne3A_212 = arith.constant 0 : i32
          %ne3A_213 = arith.cmpi ne, %rem3A_211, %ne3A_212 : i32
          %and3A_214 = arith.andi %ne3A, %ne3A_213 : i1
          %sub3A_215 = arith.constant 1 : i32
          %sub3A_216 = arith.subi %div3A, %sub3A_215 : i32
          %select_n3A = arith.select %and3A_214, %sub3A_216, %div3A : i32
          %rem3A_217 = arith.constant 2 : i32
          %rem3A_218 = arith.remsi %select_n3A, %rem3A_217 : i32
          %mul3A_219 = arith.constant 8 : i32
          %mul3A_220 = arith.muli %select_n3A, %mul3A_219 : i32
          %sub3A_221 = arith.subi %sub3A_197, %mul3A_220 : i32
          %dma_wait3A_222 = arith.constant 0 : i32
          %dma_wait3A_223 = arith.constant 0 : i32
          %dma_wait3A_224 = tpu.memref_slice %arg8[%rem3A_134, %dma_wait3A_222, %dma_wait3A_223] : memref<4x64x128xf32, #tpu.memory_space<vmem>> -> memref<1x64x128xf32, #tpu.memory_space<vmem>>
          %dma_wait3A_225 = tpu.memref_squeeze %dma_wait3A_224 : memref<1x64x128xf32, #tpu.memory_space<vmem>> -> memref<64x128xf32, #tpu.memory_space<vmem>>
          %dma_wait3A_226 = arith.constant 0 : i32
          %dma_wait3A_227 = tpu.memref_slice %arg7[%rem3A_218, %sub3A_221, %dma_wait3A_226] : memref<2x8x64xi32, #tpu.memory_space<vmem>> -> memref<1x1x64xi32, #tpu.memory_space<vmem>>
          %dma_wait3A_228 = tpu.memref_squeeze %dma_wait3A_227 : memref<1x1x64xi32, #tpu.memory_space<vmem>> -> memref<64xi32, #tpu.memory_space<vmem>>
          %dma_wait3A_229 = arith.constant 0 : i32
          %dma_wait3A_230 = arith.constant 0 : i32
          %dma_wait3A_231 = tpu.memref_slice %arg5[%dma_wait3A_229, %dma_wait3A_230] : memref<10240x128xf32, #tpu.memory_space<vmem_shared>> -> memref<10240x128xf32, #tpu.memory_space<vmem_shared>>
          %dma_wait3A_232 = tpu.memref_slice %arg11[%rem3A_134] : memref<4x!tpu.dma_semaphore, #tpu.memory_space<semaphore_mem>> -> memref<1x!tpu.dma_semaphore, #tpu.memory_space<semaphore_mem>>
          %dma_wait3A_233 = tpu.memref_squeeze %dma_wait3A_232 : memref<1x!tpu.dma_semaphore, #tpu.memory_space<semaphore_mem>> -> memref<!tpu.dma_semaphore, #tpu.memory_space<semaphore_mem>>
          tpu.wait_indirect_dma semaphore(%dma_wait3A_233 : memref<!tpu.dma_semaphore, #tpu.memory_space<semaphore_mem>>) src(%dma_wait3A_225 : memref<64x128xf32, #tpu.memory_space<vmem>>) dst(%dma_wait3A_231 : memref<10240x128xf32, #tpu.memory_space<vmem_shared>>)
        } else {
        }
        %add3A_153 = arith.constant 3 : i32
        %add3A_154 = arith.addi %add3A_125, %add3A_153 : i32
        %lt3A_155 = arith.constant 8 : i32
        %lt3A_156 = arith.cmpi slt, %add3A_154, %lt3A_155 : i32
        %convert_element_type3A_157 = arith.extui %lt3A_156 : i1 to i32
        %cond3A_158 = arith.constant 0 : i32
        %cond3A_159 = arith.cmpi ne, %convert_element_type3A_157, %cond3A_158 : i32
        scf.if %cond3A_159 {
          %add3A_196 = arith.constant 3 : i32
          %add3A_197 = arith.addi %add3A_125, %add3A_196 : i32
          %dma_start3A_198 = arith.constant 0 : i32
          %dma_start3A_199 = arith.constant 0 : i32
          %dma_start3A_200 = tpu.memref_slice %arg8[%rem3A_134, %dma_start3A_198, %dma_start3A_199] : memref<4x64x128xf32, #tpu.memory_space<vmem>> -> memref<1x64x128xf32, #tpu.memory_space<vmem>>
          %dma_start3A_201 = tpu.memref_squeeze %dma_start3A_200 : memref<1x64x128xf32, #tpu.memory_space<vmem>> -> memref<64x128xf32, #tpu.memory_space<vmem>>
          %dma_start3A_202 = arith.constant 0 : i32
          %dma_start3A_203 = tpu.memref_slice %arg6[%rem3A_107, %add3A_197, %dma_start3A_202] : memref<2x8x64xi32, #tpu.memory_space<vmem>> -> memref<1x1x64xi32, #tpu.memory_space<vmem>>
          %dma_start3A_204 = tpu.memref_squeeze %dma_start3A_203 : memref<1x1x64xi32, #tpu.memory_space<vmem>> -> memref<64xi32, #tpu.memory_space<vmem>>
          %dma_start3A_205 = arith.constant 0 : i32
          %dma_start3A_206 = arith.constant 0 : i32
          %dma_start3A_207 = tpu.memref_slice %arg2[%dma_start3A_205, %dma_start3A_206] : memref<10000x128xf32, #tpu.memory_space<hbm>> -> memref<10000x128xf32, #tpu.memory_space<hbm>>
          %dma_start3A_208 = tpu.memref_slice %arg10[%rem3A_134] : memref<4x!tpu.dma_semaphore, #tpu.memory_space<semaphore_mem>> -> memref<1x!tpu.dma_semaphore, #tpu.memory_space<semaphore_mem>>
          %dma_start3A_209 = tpu.memref_squeeze %dma_start3A_208 : memref<1x!tpu.dma_semaphore, #tpu.memory_space<semaphore_mem>> -> memref<!tpu.dma_semaphore, #tpu.memory_space<semaphore_mem>>
          tpu.enqueue_indirect_dma source(%dma_start3A_207 : memref<10000x128xf32, #tpu.memory_space<hbm>>) target(%dma_start3A_201 : memref<64x128xf32, #tpu.memory_space<vmem>>) offsets(%dma_start3A_204 : memref<64xi32, #tpu.memory_space<vmem>>) semaphore(%dma_start3A_209 : memref<!tpu.dma_semaphore, #tpu.memory_space<semaphore_mem>>)
        } else {
        }
        %add3A_160 = arith.constant 3 : i32
        %add3A_161 = arith.addi %add3A_125, %add3A_160 : i32
        %ge3A_162 = arith.constant 8 : i32
        %ge3A_163 = arith.cmpi sge, %add3A_161, %ge3A_162 : i32
        %add3A_164 = arith.constant 1 : i32
        %add3A_165 = arith.addi %add3A_106, %add3A_164 : i32
        %lt3A_166 = arith.constant 20 : i32
        %lt3A_167 = arith.cmpi slt, %add3A_165, %lt3A_166 : i32
        %and3A_168 = arith.andi %ge3A_163, %lt3A_167 : i1
        %convert_element_type3A_169 = arith.extui %and3A_168 : i1 to i32
        %cond3A_170 = arith.constant 0 : i32
        %cond3A_171 = arith.cmpi ne, %convert_element_type3A_169, %cond3A_170 : i32
        scf.if %cond3A_171 {
          %add3A_196 = arith.constant 3 : i32
          %add3A_197 = arith.addi %add3A_125, %add3A_196 : i32
          %sub3A_198 = arith.constant 8 : i32
          %sub3A_199 = arith.subi %add3A_197, %sub3A_198 : i32
          %dma_start3A_200 = arith.constant 0 : i32
          %dma_start3A_201 = arith.constant 0 : i32
          %dma_start3A_202 = tpu.memref_slice %arg8[%rem3A_134, %dma_start3A_200, %dma_start3A_201] : memref<4x64x128xf32, #tpu.memory_space<vmem>> -> memref<1x64x128xf32, #tpu.memory_space<vmem>>
          %dma_start3A_203 = tpu.memref_squeeze %dma_start3A_202 : memref<1x64x128xf32, #tpu.memory_space<vmem>> -> memref<64x128xf32, #tpu.memory_space<vmem>>
          %dma_start3A_204 = arith.constant 0 : i32
          %dma_start3A_205 = tpu.memref_slice %arg6[%sub3A_108, %sub3A_199, %dma_start3A_204] : memref<2x8x64xi32, #tpu.memory_space<vmem>> -> memref<1x1x64xi32, #tpu.memory_space<vmem>>
          %dma_start3A_206 = tpu.memref_squeeze %dma_start3A_205 : memref<1x1x64xi32, #tpu.memory_space<vmem>> -> memref<64xi32, #tpu.memory_space<vmem>>
          %dma_start3A_207 = arith.constant 0 : i32
          %dma_start3A_208 = arith.constant 0 : i32
          %dma_start3A_209 = tpu.memref_slice %arg2[%dma_start3A_207, %dma_start3A_208] : memref<10000x128xf32, #tpu.memory_space<hbm>> -> memref<10000x128xf32, #tpu.memory_space<hbm>>
          %dma_start3A_210 = tpu.memref_slice %arg10[%rem3A_134] : memref<4x!tpu.dma_semaphore, #tpu.memory_space<semaphore_mem>> -> memref<1x!tpu.dma_semaphore, #tpu.memory_space<semaphore_mem>>
          %dma_start3A_211 = tpu.memref_squeeze %dma_start3A_210 : memref<1x!tpu.dma_semaphore, #tpu.memory_space<semaphore_mem>> -> memref<!tpu.dma_semaphore, #tpu.memory_space<semaphore_mem>>
          tpu.enqueue_indirect_dma source(%dma_start3A_209 : memref<10000x128xf32, #tpu.memory_space<hbm>>) target(%dma_start3A_203 : memref<64x128xf32, #tpu.memory_space<vmem>>) offsets(%dma_start3A_206 : memref<64xi32, #tpu.memory_space<vmem>>) semaphore(%dma_start3A_211 : memref<!tpu.dma_semaphore, #tpu.memory_space<semaphore_mem>>)
        } else {
        }
        %dma_wait3A_172 = arith.constant 0 : i32
        %dma_wait3A_173 = arith.constant 0 : i32
        %dma_wait3A_174 = tpu.memref_slice %arg8[%rem3A_130, %dma_wait3A_172, %dma_wait3A_173] : memref<4x64x128xf32, #tpu.memory_space<vmem>> -> memref<1x64x128xf32, #tpu.memory_space<vmem>>
        %dma_wait3A_175 = tpu.memref_squeeze %dma_wait3A_174 : memref<1x64x128xf32, #tpu.memory_space<vmem>> -> memref<64x128xf32, #tpu.memory_space<vmem>>
        %dma_wait3A_176 = arith.constant 0 : i32
        %dma_wait3A_177 = tpu.memref_slice %arg6[%rem3A_107, %add3A_125, %dma_wait3A_176] : memref<2x8x64xi32, #tpu.memory_space<vmem>> -> memref<1x1x64xi32, #tpu.memory_space<vmem>>
        %dma_wait3A_178 = tpu.memref_squeeze %dma_wait3A_177 : memref<1x1x64xi32, #tpu.memory_space<vmem>> -> memref<64xi32, #tpu.memory_space<vmem>>
        %dma_wait3A_179 = arith.constant 0 : i32
        %dma_wait3A_180 = arith.constant 0 : i32
        %dma_wait3A_181 = tpu.memref_slice %arg2[%dma_wait3A_179, %dma_wait3A_180] : memref<10000x128xf32, #tpu.memory_space<hbm>> -> memref<10000x128xf32, #tpu.memory_space<hbm>>
        %dma_wait3A_182 = tpu.memref_slice %arg10[%rem3A_130] : memref<4x!tpu.dma_semaphore, #tpu.memory_space<semaphore_mem>> -> memref<1x!tpu.dma_semaphore, #tpu.memory_space<semaphore_mem>>
        %dma_wait3A_183 = tpu.memref_squeeze %dma_wait3A_182 : memref<1x!tpu.dma_semaphore, #tpu.memory_space<semaphore_mem>> -> memref<!tpu.dma_semaphore, #tpu.memory_space<semaphore_mem>>
        tpu.wait_indirect_dma semaphore(%dma_wait3A_183 : memref<!tpu.dma_semaphore, #tpu.memory_space<semaphore_mem>>) src(%dma_wait3A_181 : memref<10000x128xf32, #tpu.memory_space<hbm>>) dst(%dma_wait3A_175 : memref<64x128xf32, #tpu.memory_space<vmem>>)
        %dma_start3A_184 = arith.constant 0 : i32
        %dma_start3A_185 = arith.constant 0 : i32
        %dma_start3A_186 = tpu.memref_slice %arg8[%rem3A_130, %dma_start3A_184, %dma_start3A_185] : memref<4x64x128xf32, #tpu.memory_space<vmem>> -> memref<1x64x128xf32, #tpu.memory_space<vmem>>
        %dma_start3A_187 = tpu.memref_squeeze %dma_start3A_186 : memref<1x64x128xf32, #tpu.memory_space<vmem>> -> memref<64x128xf32, #tpu.memory_space<vmem>>
        %dma_start3A_188 = arith.constant 0 : i32
        %dma_start3A_189 = tpu.memref_slice %arg7[%rem3A_107, %add3A_125, %dma_start3A_188] : memref<2x8x64xi32, #tpu.memory_space<vmem>> -> memref<1x1x64xi32, #tpu.memory_space<vmem>>
        %dma_start3A_190 = tpu.memref_squeeze %dma_start3A_189 : memref<1x1x64xi32, #tpu.memory_space<vmem>> -> memref<64xi32, #tpu.memory_space<vmem>>
        %dma_start3A_191 = arith.constant 0 : i32
        %dma_start3A_192 = arith.constant 0 : i32
        %dma_start3A_193 = tpu.memref_slice %arg5[%dma_start3A_191, %dma_start3A_192] : memref<10240x128xf32, #tpu.memory_space<vmem_shared>> -> memref<10240x128xf32, #tpu.memory_space<vmem_shared>>
        %dma_start3A_194 = tpu.memref_slice %arg11[%rem3A_130] : memref<4x!tpu.dma_semaphore, #tpu.memory_space<semaphore_mem>> -> memref<1x!tpu.dma_semaphore, #tpu.memory_space<semaphore_mem>>
        %dma_start3A_195 = tpu.memref_squeeze %dma_start3A_194 : memref<1x!tpu.dma_semaphore, #tpu.memory_space<semaphore_mem>> -> memref<!tpu.dma_semaphore, #tpu.memory_space<semaphore_mem>>
        tpu.enqueue_indirect_dma source(%dma_start3A_187 : memref<64x128xf32, #tpu.memory_space<vmem>>) target(%dma_start3A_193 : memref<10240x128xf32, #tpu.memory_space<vmem_shared>>) offsets(%dma_start3A_190 : memref<64xi32, #tpu.memory_space<vmem>>) semaphore(%dma_start3A_195 : memref<!tpu.dma_semaphore, #tpu.memory_space<semaphore_mem>>) {add = true}
      }
      %scan3A_120 = arith.constant 8 : i32
    }
    %scan3A_89 = arith.constant 20 : i32
    %scan3A_90 = arith.constant 0 : i32
    %scan3A_91 = arith.constant 4 : i32
    %scan3A_92 = arith.addi %scan3A_90, %scan3A_91 : i32
    %scan3A_93 = arith.constant 1 : i32
    scf.for %scan3A_102 = %scan3A_90 to %scan3A_92 step %scan3A_93  : i32 {
      %mul3A_103 = arith.constant 1 : i32
      %mul3A_104 = arith.muli %scan3A_102, %mul3A_103 : i32
      %add3A_105 = arith.constant 156 : i32
      %add3A_106 = arith.addi %add3A_105, %mul3A_104 : i32
      %jit3A = arith.constant 8 : i32
      %div3A = arith.divsi %add3A_106, %jit3A : i32
      %sign3A = arith.constant 0 : i32
      %sign3A_107 = arith.cmpi sgt, %add3A_106, %sign3A : i32
      %sign3A_108 = arith.extui %sign3A_107 : i1 to i32
      %sign3A_109 = arith.constant 0 : i32
      %sign3A_110 = arith.cmpi slt, %add3A_106, %sign3A_109 : i32
      %sign3A_111 = arith.extui %sign3A_110 : i1 to i32
      %sign3A_112 = arith.subi %sign3A_108, %sign3A_111 : i32
      %sign3A_113 = arith.constant 0 : i32
      %sign3A_114 = arith.cmpi sgt, %jit3A, %sign3A_113 : i32
      %sign3A_115 = arith.extui %sign3A_114 : i1 to i32
      %sign3A_116 = arith.constant 0 : i32
      %sign3A_117 = arith.cmpi slt, %jit3A, %sign3A_116 : i32
      %sign3A_118 = arith.extui %sign3A_117 : i1 to i32
      %sign3A_119 = arith.subi %sign3A_115, %sign3A_118 : i32
      %ne3A = arith.cmpi ne, %sign3A_112, %sign3A_119 : i32
      %rem3A = arith.remsi %add3A_106, %jit3A : i32
      %ne3A_120 = arith.constant 0 : i32
      %ne3A_121 = arith.cmpi ne, %rem3A, %ne3A_120 : i32
      %and3A = arith.andi %ne3A, %ne3A_121 : i1
      %sub3A = arith.constant 1 : i32
      %sub3A_122 = arith.subi %div3A, %sub3A : i32
      %select_n3A = arith.select %and3A, %sub3A_122, %div3A : i32
      %rem3A_123 = arith.constant 2 : i32
      %rem3A_124 = arith.remsi %select_n3A, %rem3A_123 : i32
      %mul3A_125 = arith.constant 8 : i32
      %mul3A_126 = arith.muli %select_n3A, %mul3A_125 : i32
      %sub3A_127 = arith.subi %add3A_106, %mul3A_126 : i32
      %rem3A_128 = arith.constant 4 : i32
      %rem3A_129 = arith.remsi %add3A_106, %rem3A_128 : i32
      %dma_wait3A_130 = arith.constant 0 : i32
      %dma_wait3A_131 = arith.constant 0 : i32
      %dma_wait3A_132 = tpu.memref_slice %arg8[%rem3A_129, %dma_wait3A_130, %dma_wait3A_131] : memref<4x64x128xf32, #tpu.memory_space<vmem>> -> memref<1x64x128xf32, #tpu.memory_space<vmem>>
      %dma_wait3A_133 = tpu.memref_squeeze %dma_wait3A_132 : memref<1x64x128xf32, #tpu.memory_space<vmem>> -> memref<64x128xf32, #tpu.memory_space<vmem>>
      %dma_wait3A_134 = arith.constant 0 : i32
      %dma_wait3A_135 = tpu.memref_slice %arg7[%rem3A_124, %sub3A_127, %dma_wait3A_134] : memref<2x8x64xi32, #tpu.memory_space<vmem>> -> memref<1x1x64xi32, #tpu.memory_space<vmem>>
      %dma_wait3A_136 = tpu.memref_squeeze %dma_wait3A_135 : memref<1x1x64xi32, #tpu.memory_space<vmem>> -> memref<64xi32, #tpu.memory_space<vmem>>
      %dma_wait3A_137 = arith.constant 0 : i32
      %dma_wait3A_138 = arith.constant 0 : i32
      %dma_wait3A_139 = tpu.memref_slice %arg5[%dma_wait3A_137, %dma_wait3A_138] : memref<10240x128xf32, #tpu.memory_space<vmem_shared>> -> memref<10240x128xf32, #tpu.memory_space<vmem_shared>>
      %dma_wait3A_140 = tpu.memref_slice %arg11[%rem3A_129] : memref<4x!tpu.dma_semaphore, #tpu.memory_space<semaphore_mem>> -> memref<1x!tpu.dma_semaphore, #tpu.memory_space<semaphore_mem>>
      %dma_wait3A_141 = tpu.memref_squeeze %dma_wait3A_140 : memref<1x!tpu.dma_semaphore, #tpu.memory_space<semaphore_mem>> -> memref<!tpu.dma_semaphore, #tpu.memory_space<semaphore_mem>>
      tpu.wait_indirect_dma semaphore(%dma_wait3A_141 : memref<!tpu.dma_semaphore, #tpu.memory_space<semaphore_mem>>) src(%dma_wait3A_133 : memref<64x128xf32, #tpu.memory_space<vmem>>) dst(%dma_wait3A_139 : memref<10240x128xf32, #tpu.memory_space<vmem_shared>>)
    }
    %scan3A_94 = arith.constant 4 : i32
    %barrier3A_95 = arith.constant 0 : index
    tpu.barrier barrier_id(%barrier3A_95)
    %lt3A = arith.constant 15 : i32
    %lt3A_96 = arith.cmpi slt, %arg1, %lt3A : i32
    %convert_element_type3A = arith.extui %lt3A_96 : i1 to i32
    %cond3A = arith.constant 0 : i32
    %cond3A_97 = arith.cmpi ne, %convert_element_type3A, %cond3A : i32
    scf.if %cond3A_97 {
      %mul3A_102 = arith.constant 640 : i32
      %mul3A_103 = arith.muli %arg1, %mul3A_102 : i32
      %mul3A_104 = arith.constant 640 : i32
      %mul3A_105 = arith.muli %arg1, %mul3A_104 : i32
      "tpu.region"() ({
        %run_scoped3A = tpu.sem_alloc : memref<!tpu.dma_semaphore, #tpu.memory_space<semaphore_mem>>
        %dma_start3A_106 = arith.constant 0 : i32
        %dma_start3A_107 = tpu.memref_slice %arg4[%arg0, %mul3A_105, %dma_start3A_106] : memref<2x10000x128xf32, #tpu.memory_space<hbm>> -> memref<1x640x128xf32, #tpu.memory_space<hbm>>
        %dma_start3A_108 = tpu.memref_squeeze %dma_start3A_107 : memref<1x640x128xf32, #tpu.memory_space<hbm>> -> memref<640x128xf32, #tpu.memory_space<hbm>>
        %dma_start3A_109 = arith.constant 0 : i32
        %dma_start3A_110 = tpu.memref_slice %arg5[%mul3A_103, %dma_start3A_109] : memref<10240x128xf32, #tpu.memory_space<vmem_shared>> -> memref<640x128xf32, #tpu.memory_space<vmem_shared>>
        tpu.enqueue_dma source(%dma_start3A_110 : memref<640x128xf32, #tpu.memory_space<vmem_shared>>) target(%dma_start3A_108 : memref<640x128xf32, #tpu.memory_space<hbm>>) target_semaphore(%run_scoped3A : memref<!tpu.dma_semaphore, #tpu.memory_space<semaphore_mem>>)
        %dma_wait3A_111 = arith.constant 0 : i32
        %dma_wait3A_112 = tpu.memref_slice %arg4[%arg0, %mul3A_105, %dma_wait3A_111] : memref<2x10000x128xf32, #tpu.memory_space<hbm>> -> memref<1x640x128xf32, #tpu.memory_space<hbm>>
        %dma_wait3A_113 = tpu.memref_squeeze %dma_wait3A_112 : memref<1x640x128xf32, #tpu.memory_space<hbm>> -> memref<640x128xf32, #tpu.memory_space<hbm>>
        %dma_wait3A_114 = arith.constant 0 : i32
        %dma_wait3A_115 = tpu.memref_slice %arg5[%mul3A_103, %dma_wait3A_114] : memref<10240x128xf32, #tpu.memory_space<vmem_shared>> -> memref<640x128xf32, #tpu.memory_space<vmem_shared>>
        tpu.wait_dma2 semaphore(%run_scoped3A : memref<!tpu.dma_semaphore, #tpu.memory_space<semaphore_mem>>) src(%dma_wait3A_115 : memref<640x128xf32, #tpu.memory_space<vmem_shared>>) dst(%dma_wait3A_113 : memref<640x128xf32, #tpu.memory_space<hbm>>)
        tpu.yield
      }) : () -> ()
    } else {
    }
    %eq3A = arith.constant 15 : i32
    %eq3A_98 = arith.cmpi eq, %arg1, %eq3A : i32
    %convert_element_type3A_99 = arith.extui %eq3A_98 : i1 to i32
    %cond3A_100 = arith.constant 0 : i32
    %cond3A_101 = arith.cmpi ne, %convert_element_type3A_99, %cond3A_100 : i32
    scf.if %cond3A_101 {
      "tpu.region"() ({
        %run_scoped3A = tpu.sem_alloc : memref<!tpu.dma_semaphore, #tpu.memory_space<semaphore_mem>>
        %dma_start3A_102 = arith.constant 9600 : i32
        %dma_start3A_103 = arith.constant 0 : i32
        %dma_start3A_104 = tpu.memref_slice %arg4[%arg0, %dma_start3A_102, %dma_start3A_103] : memref<2x10000x128xf32, #tpu.memory_space<hbm>> -> memref<1x400x128xf32, #tpu.memory_space<hbm>>
        %dma_start3A_105 = tpu.memref_squeeze %dma_start3A_104 : memref<1x400x128xf32, #tpu.memory_space<hbm>> -> memref<400x128xf32, #tpu.memory_space<hbm>>
        %dma_start3A_106 = arith.constant 9600 : i32
        %dma_start3A_107 = arith.constant 0 : i32
        %dma_start3A_108 = tpu.memref_slice %arg5[%dma_start3A_106, %dma_start3A_107] : memref<10240x128xf32, #tpu.memory_space<vmem_shared>> -> memref<400x128xf32, #tpu.memory_space<vmem_shared>>
        tpu.enqueue_dma source(%dma_start3A_108 : memref<400x128xf32, #tpu.memory_space<vmem_shared>>) target(%dma_start3A_105 : memref<400x128xf32, #tpu.memory_space<hbm>>) target_semaphore(%run_scoped3A : memref<!tpu.dma_semaphore, #tpu.memory_space<semaphore_mem>>)
        %dma_wait3A_109 = arith.constant 9600 : i32
        %dma_wait3A_110 = arith.constant 0 : i32
        %dma_wait3A_111 = tpu.memref_slice %arg4[%arg0, %dma_wait3A_109, %dma_wait3A_110] : memref<2x10000x128xf32, #tpu.memory_space<hbm>> -> memref<1x400x128xf32, #tpu.memory_space<hbm>>
        %dma_wait3A_112 = tpu.memref_squeeze %dma_wait3A_111 : memref<1x400x128xf32, #tpu.memory_space<hbm>> -> memref<400x128xf32, #tpu.memory_space<hbm>>
        %dma_wait3A_113 = arith.constant 9600 : i32
        %dma_wait3A_114 = arith.constant 0 : i32
        %dma_wait3A_115 = tpu.memref_slice %arg5[%dma_wait3A_113, %dma_wait3A_114] : memref<10240x128xf32, #tpu.memory_space<vmem_shared>> -> memref<400x128xf32, #tpu.memory_space<vmem_shared>>
        tpu.wait_dma2 semaphore(%run_scoped3A : memref<!tpu.dma_semaphore, #tpu.memory_space<semaphore_mem>>) src(%dma_wait3A_115 : memref<400x128xf32, #tpu.memory_space<vmem_shared>>) dst(%dma_wait3A_112 : memref<400x128xf32, #tpu.memory_space<hbm>>)
        tpu.yield
      }) : () -> ()
    } else {
    }
    return
  }
}

module attributes {stable_mosaic.version = 14 : i64} {
  func.func @_scale_kernel(%arg0: memref<10000x128xf32, #tpu.memory_space<vmem>>, %arg1: memref<10000x1xf32, #tpu.memory_space<vmem>>, %arg2: memref<10000x128xf32, #tpu.memory_space<vmem>>) attributes {dimension_semantics = [], scalar_prefetch = 0 : i64, scratch_operands = 0 : i64, tpu.core_type = #tpu.core_type<tc>} {
    %get3A = arith.constant 0 : index
    %get3A_0 = arith.constant 0 : index
    %get3A_1 = vector.load %arg0[%get3A, %get3A_0] : memref<10000x128xf32, #tpu.memory_space<vmem>>, vector<10000x128xf32>
    %get3A_2 = arith.constant 0 : index
    %get3A_3 = arith.constant 0 : index
    %get3A_4 = vector.load %arg1[%get3A_2, %get3A_3] : memref<10000x1xf32, #tpu.memory_space<vmem>>, vector<10000x1xf32>
    %mul3A = vector.broadcast %get3A_4 : vector<10000x1xf32> to vector<10000x128xf32>
    %mul3A_5 = arith.mulf %get3A_1, %mul3A : vector<10000x128xf32>
    %swap3A = arith.constant 0 : index
    %swap3A_6 = arith.constant 0 : index
    %swap3A_7 = vector.load %arg2[%swap3A, %swap3A_6] : memref<10000x128xf32, #tpu.memory_space<vmem>>, vector<10000x128xf32>
    tpu.vector_store %arg2[%swap3A, %swap3A_6], %mul3A_5 {strides = array<i32>} : memref<10000x128xf32, #tpu.memory_space<vmem>>, vector<10000x128xf32>,
    return
  }
}

module attributes {stable_mosaic.version = 14 : i64} {
  func.func @_combine_kernel(%arg0: memref<10000x128xf32, #tpu.memory_space<vmem>>, %arg1: memref<10000x1xf32, #tpu.memory_space<vmem>>, %arg2: memref<2x10000x128xf32, #tpu.memory_space<vmem>>, %arg3: memref<10000x128xf32, #tpu.memory_space<vmem>>) attributes {dimension_semantics = [], scalar_prefetch = 0 : i64, scratch_operands = 0 : i64, tpu.core_type = #tpu.core_type<tc>} {
    %get3A = arith.constant 0 : index
    %get3A_0 = arith.constant 0 : index
    %get3A_1 = vector.load %arg1[%get3A, %get3A_0] : memref<10000x1xf32, #tpu.memory_space<vmem>>, vector<10000x1xf32>
    %get3A_2 = arith.constant 0 : index
    %get3A_3 = arith.constant 0 : index
    %get3A_4 = vector.load %arg0[%get3A_2, %get3A_3] : memref<10000x128xf32, #tpu.memory_space<vmem>>, vector<10000x128xf32>
    %mul3A = vector.broadcast %get3A_1 : vector<10000x1xf32> to vector<10000x128xf32>
    %mul3A_5 = arith.mulf %get3A_4, %mul3A : vector<10000x128xf32>
    %get3A_6 = arith.constant 0 : index
    %get3A_7 = arith.constant 0 : index
    %get3A_8 = arith.constant 0 : index
    %get3A_9 = vector.load %arg2[%get3A_6, %get3A_7, %get3A_8] : memref<2x10000x128xf32, #tpu.memory_space<vmem>>, vector<1x10000x128xf32>
    %get3A_10 = vector.shape_cast %get3A_9 : vector<1x10000x128xf32> to vector<10000x128xf32>
    %add3A = arith.addf %mul3A_5, %get3A_10 : vector<10000x128xf32>
    %get3A_11 = arith.constant 1 : index
    %get3A_12 = arith.constant 0 : index
    %get3A_13 = arith.constant 0 : index
    %get3A_14 = vector.load %arg2[%get3A_11, %get3A_12, %get3A_13] : memref<2x10000x128xf32, #tpu.memory_space<vmem>>, vector<1x10000x128xf32>
    %get3A_15 = vector.shape_cast %get3A_14 : vector<1x10000x128xf32> to vector<10000x128xf32>
    %add3A_16 = arith.addf %add3A, %get3A_15 : vector<10000x128xf32>
    %mul3A_17 = vector.broadcast %get3A_1 : vector<10000x1xf32> to vector<10000x128xf32>
    %mul3A_18 = arith.mulf %add3A_16, %mul3A_17 : vector<10000x128xf32>
    %add3A_19 = arith.addf %get3A_4, %mul3A_18 : vector<10000x128xf32>
    %swap3A = arith.constant 0 : index
    %swap3A_20 = arith.constant 0 : index
    %swap3A_21 = vector.load %arg3[%swap3A, %swap3A_20] : memref<10000x128xf32, #tpu.memory_space<vmem>>, vector<10000x128xf32>
    tpu.vector_store %arg3[%swap3A, %swap3A_20], %add3A_19 {strides = array<i32>} : memref<10000x128xf32, #tpu.memory_space<vmem>>, vector<10000x128xf32>,
    return
  }
}

</mosaic_0001>

<sc_bundles>
// kernel: kernel.5.cloned.1.call-start
scs
__scs_entry_jumppad:
0x0: {  	(pc) =	sbr.rel $0x88, $3  }
0x1: {  	(tag) =	ssettag $0x0;
	lr =	simm.s32 $0x1  }
0x2: {  	[smem:$0x3F9E] =	sst lr;
	_ =	strace $0xD0000000  }
0x3: {  	_ = 	snop  }
0x4: {  	_ = 	snop  }
0x5: {  	_ = 	snop  }
0x6: {  	_ = 	snop  }
0x7: {  	_ = 	snop  }
__scs_overlays_trampoline_lowered:
0x8: {  	[smem:$0x3FAD] =	sst s0  }
0x9: {  	[smem:$0x3FAE] =	sst s1  }
0xa: {  	[smem:$0x3FAF] =	sst s2  }
0xb: {  	[smem:$0x3FB0] =	sst s3  }
0xc: {  	[smem:$0x3FB1] =	sst s4  }
0xd: {  	[smem:$0x3FB2] =	sst s5  }
0xe: {  	[smem:$0x3FB3] =	sst s6  }
0xf: {  	[smem:$0x3FB4] =	sst s7  }
0x10: {  	[smem:$0x3FB5] =	sst s8  }
0x11: {  	[smem:$0x3FB6] =	sst s9;
	s0 =	simm.s32 @!p0 $0x0  }
0x12: {  	s1 =	sld [smem:$0x3F9C];
	s0 =	simm.s32 @p0 $0x1  }
0x13: {  	[smem:$0x3FB7] =	sst s0;
	s0 =	simm.s32 @!p1 $0x0  }
0x14: {  	s2 =	sld [smem:$0x3F9B];
	s0 =	simm.s32 @p1 $0x1  }
0x15: {  	[smem:$0x3FB8] =	sst s0;
	s0 =	simm.s32 @!p2 $0x0  }
0x16: {  	s3 =	sld [smem:$0x3FDB];
	s0 =	simm.s32 @p2 $0x1  }
0x17: {  	s4 =	simm.s32 $0x1BF5;
	[smem:$0x3FBA] =	sst s0  }
0x18: {  	s0 =	sld [smem:$0x3F9D];
	_ =	swait.ge [sflag:s4], $0x0  }
0x19: {  	s7 =	sld [smem:$0x3F9E]  }
0x1a: {  	s8 =	sadd.s32 $0xFFFFE003, lr  }
0x1b: {  	s9 =	sadd.s32 $0xFFFFFEF7, lr;
	s5 =	simm.s32 $0xFFFFFFFF;
	p2 =	slt.u32 s8, $0xFFFFF086  }
0x1c: {  	p1 =	slt.u32 s9, $0xF7A;
	s5 =	simm.s32 @!p2 $0x0  }
0x1d: {  	s5 =	simm.s32 @p1 $0x1;
	p0 =	seq.s32 s7, s2  }
0x1e: {  	s7 =	smul.u32 @!p0 $0xF7A, s2;
	p2 =	seq.s32 @!p0 s5, $0x0  }
0x1f: {  	s9 =	smul.u32 $0xF7A, s1;
	s8 =	simm.s32 @!p0 $0x1BF5;
	p2 =	por !p2, p0  }
0x20: {  	[sflag:s8] =	ssyncset.s32 @!p0 $0xFFFFF086;
	s6 =	sadd.s32 @!p0 s3, s7;
	s7 =	simm.s32 @!p0 $0x108  }
0x21: {  	s3 =	sadd.s32 s3, s9;
	s6 =	sadd.s32 @!p0 $0x88, s6;
	s7 =	simm.s32 @p2 $0x1082  }
0x22: {  	[simem:s7], [sflag:s8] =	dma.local @!p0 [hbm:s6], $0xF7A  }
0x23: {  	s9 =	sor.u32 $0xD0000000, s2;
	s6 =	simm.s32 $0x108;
	_ =	swait.ge @!p0 [sflag:s8], $0x0  }
0x24: {  	s3 =	sadd.s32 $0x88, s3;
	s6 =	simm.s32 @!p1 $0x1082;
	[sflag:s4] =	ssyncset.s32 $0xFFFFF086  }
0x25: {  	[simem:s6], [sflag:s4] =	dma.local [hbm:s3], $0xF7A  }
0x26: {  	[smem:$0x3F9E] =	sst s1;
	(tag) =	ssettag s2;
	_ =	strace s9  }
0x27: {  	s1 =	sld [smem:$0x3FAE]  }
0x28: {  	s2 =	sld [smem:$0x3FAF]  }
0x29: {  	s4 =	sld [smem:$0x3FB1]  }
0x2a: {  	p0 =	seq.s32 s5, $0x0;
	s5 =	sld [smem:$0x3FB2]  }
0x2b: {  	s6 =	sld [smem:$0x3FB3]  }
0x2c: {  	s7 =	sld [smem:$0x3FB4]  }
0x2d: {  	s3 =	simm.s32 $0x108;
	s8 =	sld [smem:$0x3FB5]  }
0x2e: {  	s3 =	simm.s32 @!p0 $0x1082;
	s9 =	sld [smem:$0x3FB6]  }
0x2f: {  	lr =	sadd.s32 s0, s3;
	s0 =	sld [smem:$0x3FAD]  }
0x30: {  	s3 =	sld [smem:$0x3FB0]  }
0x31: {  	[smem:$0x3FB9] =	sst s10  }
0x32: {  	s10 =	sld [smem:$0x3FB7];
	_ =	sdelay $0x3  }
0x33: {  	p0 =	seq.s32 s10, $0x1;
	s10 =	sld [smem:$0x3FB9];
	_ =	sdelay $0x3  }
0x34: {  	[smem:$0x3FB9] =	sst s10  }
0x35: {  	s10 =	sld [smem:$0x3FB8];
	_ =	sdelay $0x3  }
0x36: {  	p1 =	seq.s32 s10, $0x1;
	s10 =	sld [smem:$0x3FB9];
	_ =	sdelay $0x3  }
0x37: {  	[smem:$0x3FB9] =	sst s10  }
0x38: {  	s10 =	sld [smem:$0x3FBA]  }
0x39: {  	_ = 	snop;
	(pc) =	sbr.ind lr, $3  }
0x3a: {  	_ = 	snop  }
0x3b: {  	_ = 	snop  }
0x3c: {  	p2 =	seq.s32 s10, $0x1;
	s10 =	sld [smem:$0x3FB9]  }
0x3d: {  	_ =	shalt  }
0x3e: {  	_ =	shalt  }
0x3f: {  	_ =	shalt  }
0x40: {  	_ =	shalt  }
0x41: {  	_ =	shalt  }
0x42: {  	_ =	shalt  }
0x43: {  	_ =	shalt  }
0x44: {  	_ =	shalt  }
0x45: {  	_ =	shalt  }
0x46: {  	_ =	shalt  }
0x47: {  	_ =	shalt  }
0x48: {  	_ =	shalt  }
0x49: {  	_ =	shalt  }
0x4a: {  	_ =	shalt  }
0x4b: {  	_ =	shalt  }
0x4c: {  	_ =	shalt  }
0x4d: {  	_ =	shalt  }
0x4e: {  	_ =	shalt  }
0x4f: {  	_ =	shalt  }
0x50: {  	_ =	shalt  }
0x51: {  	_ =	shalt  }
0x52: {  	_ =	shalt  }
0x53: {  	_ =	shalt  }
0x54: {  	_ =	shalt  }
0x55: {  	_ =	shalt  }
0x56: {  	_ =	shalt  }
0x57: {  	_ =	shalt  }
0x58: {  	_ =	shalt  }
0x59: {  	_ =	shalt  }
0x5a: {  	_ =	shalt  }
0x5b: {  	_ =	shalt  }
0x5c: {  	_ =	shalt  }
0x5d: {  	_ =	shalt  }
0x5e: {  	_ =	shalt  }
0x5f: {  	_ =	shalt  }
0x60: {  	_ =	shalt  }
0x61: {  	_ =	shalt  }
0x62: {  	_ =	shalt  }
0x63: {  	_ =	shalt  }
0x64: {  	_ =	shalt  }
0x65: {  	_ =	shalt  }
0x66: {  	_ =	shalt  }
0x67: {  	_ =	shalt  }
0x68: {  	_ =	shalt  }
0x69: {  	_ =	shalt  }
0x6a: {  	_ =	shalt  }
0x6b: {  	_ =	shalt  }
0x6c: {  	_ =	shalt  }
0x6d: {  	_ =	shalt  }
0x6e: {  	_ =	shalt  }
0x6f: {  	_ =	shalt  }
0x70: {  	_ =	shalt  }
0x71: {  	_ =	shalt  }
0x72: {  	_ =	shalt  }
0x73: {  	_ =	shalt  }
0x74: {  	_ =	shalt  }
0x75: {  	_ =	shalt  }
0x76: {  	_ =	shalt  }
0x77: {  	_ =	shalt  }
0x78: {  	_ =	shalt  }
0x79: {  	_ =	shalt  }
0x7a: {  	_ =	shalt  }
0x7b: {  	_ =	shalt  }
0x7c: {  	_ =	shalt  }
0x7d: {  	_ =	shalt  }
0x7e: {  	_ =	shalt  }
0x7f: {  	_ =	shalt  }
0x80: {  	_ =	shalt  }
0x81: {  	_ =	shalt  }
0x82: {  	_ =	shalt  }
0x83: {  	_ =	shalt  }
0x84: {  	_ =	shalt  }
0x85: {  	_ =	shalt  }
0x86: {  	_ =	shalt  }
0x87: {  	_ =	shalt  }
.Lfunc_end0:
.L_simem_size_0:
called_computation_lowered:
.L_overlay_start_0:
0x88: {  	s2 =	sld [smem:$0x3FD9]  }
0x89: {  	s3 =	sld [smem:$0x3FFE];
	_ =	sdelay $0x1  }
0x8a: {  	s1 =	srdreg.scid  }
0x8b: {  	s0 =	sand.u32 $0x1, s1  }
0x8c: {  	s17 =	sshll.u32 s0, $0xA;
	s2 =	sadd.s32 s3, s2  }
0x8d: {  	s2 =	sadd.s32 s2, s17  }
0x8e: {  	[smem:$0x3FC5] =	sst s2  }
0x8f: {  	_ = 	snop  }
0x90: {  	s2 =	sld [smem:$0x3FD0];
	(tm) =	ssettm $0x1  }
0x91: {  	s18 =	sld [smem:$0x3FFB];
	_ =	sdelay $0x3  }
0x92: {  	_ =	strace s18  }
0x93: {  	s3 =	sld [smem:$0x3FFC];
	_ =	sdelay $0x3  }
0x94: {  	_ =	strace s3  }
0x95: {  	s3 =	sld [smem:$0x3FFD];
	_ =	sdelay $0x3  }
0x96: {  	_ =	strace s3  }
0x97: {  	_ =	strace $0x8FFFFFFF  }
0x98: {  	s19 =	sld [smem:$0x3FDB];
	_ =	sdelay $0x1  }
0x99: {  	s4 =	simm.s32 $_scs_section_size  }
0x9a: {  	s5 =	simm.s32 $_size__tile_overlayer_lowered;
	s6 =	simm.s32 $_tile_overlayer_lowered  }
0x9b: {  	s22 =	simm.s32 $0x1BFF;
	s21 =	sshll.u32 s6, $0x1;
	s3 =	sadd.s32 s4, s19  }
0x9c: {  	s7 =	simm.s32 $0x0;
	s20 =	sshll.u32 s5, $0x1;
	s5 =	sadd.s32 s21, s3  }
0x9d: {  	[timem:s7], [sflag:s22] =	dma.local [hbm:s5], s20  }
0x9e: {  	_ =	swait.ge [sflag:s22], s20  }
0x9f: {  	s4 =	ssub.s32 $0x0, s20;
	[sflag:s22] =	ssyncset.done $0x0  }
0xa0: {  	[sflag:s22] =	ssyncadd.s32 s4;
	_ =	sdelay $0x1  }
0xa1: {  	s23 =	simm.s32 $0x1B8B  }
0xa2: {  	_ =	swait.ge [sflag:s23], $0x1  }
0xa3: {  	[sflag:s23] =	ssyncset.done $0x0  }
0xa4: {  	s25 =	simm.s32 $0x1B8E;
	s24 =	sld [smem:$0x3FFE];
	[sflag:s23] =	ssyncadd.s32 $0xFFFFFFFF  }
0xa5: {  	s26 =	simm.s32 $execute0_lowered;
	[smem:$0x3FD2] =	sst s25  }
0xa6: {  	s5 =	sshll.u32 s26, $0x1;
	_ =	strace $0x80000046;
	[dreg:$0x1] =	wrdreg $0xFFFFFFFF  }
0xa7: {  	s28 =	simm.s32 $_size_execute0_lowered;
	s3 =	sadd.s32 s3, s5;
	[dreg:$0x0] =	wrdreg $0x0  }
0xa8: {  	s5 =	sshll.u32 s28, $0x1;
	[dreg:$0x2] =	wrdreg s3  }
0xa9: {  	[dreg:$0x3] =	wrdreg s5  }
0xaa: {  	[dreg:$0x4] =	wrdreg $0xC0  }
0xab: {  	_ =	task [dreg:s7], $0x5FFFF  }
0xac: {  	[dreg:$0x1] =	wrdreg $0xFFFFFFFF  }
0xad: {  	[dreg:$0x0] =	wrdreg $0x60  }
0xae: {  	[dreg:$0x2] =	wrdreg s2  }
0xaf: {  	[dreg:$0x3] =	wrdreg s24  }
0xb0: {  	[dreg:$0x4] =	wrdreg $0x0  }
0xb1: {  	[dreg:$0x5] =	wrdreg $0x9  }
0xb2: {  	_ =	task.clear_ibuf [dreg:s7], $0x6FFFF;
	_ =	strace $0x90000046  }
0xb3: {  	s29 =	simm.s32 $0x9;
	_ =	strace $0x80000048  }
0xb4: {  	_ =	swait.ge [sflag:s29], $0x1  }
0xb5: {  	[sflag:s29] =	ssyncadd.s32 $0xFFFFFFFF  }
0xb6: {  	_ =	strace $0x90000048  }
0xb7: {  	_ =	sfence  }
0xb8: {  	s30 =	sld [smem:$0x0];
	_ =	sdelay $0x2  }
0xb9: {  	s31 =	sshll.u32 s1, $0xD;
	s1 =	sshrl.u32 s1, $0x2  }
0xba: {  	s3 =	sand.u32 $0x4000, s31;
	s1 =	sadd.s32 s1, s30  }
0xbb: {  	s0 =	sor.u32 s3, s0;
	s1 =	sshll.u32 s1, $0x11  }
0xbc: {  	s0 =	sor.u32 s1, s0  }
0xbd: {  	s0 =	sadd.s32 $0x8F2B, s0  }
0xbe: {  	[sflag:s0] =	ssyncadd.remote.s32 $0x1  }
0xbf: {  	_ =	sfence.sel $0xFFFF  }
0xc0: {  	[dreg:$0x0] =	wrdreg $0xFFFFFFFF;
	(pc) =	sbr.abs _section_cstart, $3  }
0xc1: {  	[dreg:$0x1] =	wrdreg $0xFFFFFFFF  }
0xc2: {  	_ =	task.clear_ibuf [dreg:s7], $0x2FFFF;
	_ =	strace $0x9FFFFFFF  }
0xc3: {  	(tm) =	ssettm $0x7FFFFFFF  }
tec
execute0_lowered:
.L_overlay_start_1:
0x0: {  	(tag) =	ssettag $0x1  }
0x1: {  	s1 =	rddreg [dreg:$0x0]  }
0x2: {  	s0 =	rddreg [dreg:$0x1]  }
0x3: {  	s2 =	rddreg [dreg:$0x2]  }
0x4: {  	s3 =	srdreg.scid;
	s5 =	simm.s32 $0x0;
	s10 =	stileid.u32  }
0x5: {  	s3 =	sand.u32 $0x1, s3;
	[smem:$0x7FF] =	sst s5;
	s9 =	smul.u32 $0x14000, s10  }
0x6: {  	s26 =	sadd.s32 $0x1200, s0;
	s29 =	smul.u32 $0x50000, s10;
	s4 =	sshll.u32 s3, $0x4  }
0x7: {  	s6 =	ssub.s32 $0x2, s3;
	s7 =	smul.u32 $0x138800, s3;
	s4 =	sor.u32 s10, s4  }
0x8: {  	s0 =	sadd.s32 $0x29200, s0;
	s8 =	sshrl.u32 s6, $0x1;
	s4 =	smul.u32 $0x5000, s4  }
0x9: {  	s6 =	ssub.s32 s6, s8;
	s30 =	sadd.s32 s9, s7;
	s7 =	sshrl.u32 s7, $0x3  }
0xa: {  	_ =	strace $0x80000047;
	s31 =	sadd.s32 s0, s7;
	s11 =	smax.u32 s6, $0x1  }
0xb: {  	s4 =	sshrl.u32 s4, $0x3;
	s9 =	sadd.s32 $0x25800, s31;
	[dreg:$0x8] =	wrdreg s11  }
0xc: {  	s28 =	sadd.s32 s26, s4;
	s4 =	sshrl.u32 s29, $0x2;
	[dreg:$0x7] =	wrdreg s9  }
0xd: {  	[dreg:$0x4] =	wrdreg s28;
	s8 =	sadd.s32 $0x14000, s28;
	s7 =	sadd.s32 s4, s2  }
0xe: {  	[dreg:$0x5] =	wrdreg s8;
	s12 =	sadd.s32 $0x1000, s7  }
0xf: {  	s13 =	sadd.s32 $0x2000, s7;
	[dreg:$0x9] =	wrdreg s12  }
0x10: {  	s14 =	sadd.s32 $0x3000, s7;
	[dreg:$0xa] =	wrdreg s13  }
0x11: {  	s15 =	sadd.s32 $0x4000, s7;
	[dreg:$0xb] =	wrdreg s14  }
0x12: {  	s16 =	sadd.s32 $0x5000, s7;
	[dreg:$0xc] =	wrdreg s15  }
0x13: {  	s17 =	sadd.s32 $0x6000, s7;
	[dreg:$0xd] =	wrdreg s16  }
0x14: {  	s18 =	sadd.s32 $0x7000, s7;
	[dreg:$0xe] =	wrdreg s17  }
0x15: {  	s23 =	smul.u32 $0xA00, s10;
	s19 =	sadd.s32 $0x8000, s7;
	[dreg:$0xf] =	wrdreg s18  }
0x16: {  	p0 =	seq.s32 s10, $0xF;
	s20 =	sadd.s32 $0x9000, s7;
	[dreg:$0x10] =	wrdreg s19  }
0x17: {  	s5 =	simm.s32 $0x15000;
	s21 =	sadd.s32 $0xA000, s7;
	[dreg:$0x11] =	wrdreg s20  }
0x18: {  	s3 =	smul.u32 $0xA000, s3;
	s22 =	sadd.s32 $0xB000, s7;
	[dreg:$0x12] =	wrdreg s21  }
0x19: {  	s10 =	simm.s32 $0x17000;
	s24 =	sadd.s32 $0xC000, s7;
	[dreg:$0x13] =	wrdreg s22  }
0x1a: {  	s3 =	sadd.s32 s3, s26;
	s25 =	sadd.s32 $0xD000, s7;
	[dreg:$0x14] =	wrdreg s24  }
0x1b: {  	s23 =	sadd.s32 s23, s3;
	s26 =	sadd.s32 $0xE000, s7;
	[dreg:$0x15] =	wrdreg s25  }
0x1c: {  	s6 =	simm.s32 $0xA;
	s28 =	sadd.s32 $0xF000, s7;
	[dreg:$0x17] =	wrdreg s26  }
0x1d: {  	s11 =	simm.s32 $0x19000;
	s29 =	sadd.s32 $0x10000, s7;
	[dreg:$0x18] =	wrdreg s28  }
0x1e: {  	s8 =	sshrl.u32 s30, $0x3;
	s30 =	sadd.s32 $0x11000, s7;
	[dreg:$0x19] =	wrdreg s29  }
0x1f: {  	s9 =	simm.s32 $0x40;
	s31 =	sadd.s32 $0x12000, s7;
	[dreg:$0x1a] =	wrdreg s30  }
0x20: {  	s4 =	simm.s32 $0x1D000;
	s0 =	sadd.s32 s0, s8;
	[dreg:$0x1b] =	wrdreg s31  }
0x21: {  	s24 =	simm.s32 $0x14000;
	s8 =	simm.s32 $0x9;
	s12 =	simm.s32 $0x8  }
.Ltmp0:
0x22: {  	s13 =	simm.s32 $0x1B000;
	s14 =	simm.s32 $0x1;
	(pc) =	sbr.rel .LBB2_1-.Ltmp0, $4  }
0x23: {  	s15 =	simm.s32 $0x5;
	s16 =	simm.s32 $0x2;
	s17 =	simm.s32 $0x6  }
0x24: {  	s18 =	simm.s32 $0x3;
	[dreg:$0x6] =	wrdreg s0;
	s0 =	sadd.s32 $0x12C000, s2  }
0x25: {  	s19 =	simm.s32 $0x7;
	s20 =	simm.s32 $0x4;
	s0 =	sshrl.u32 @p0 s0, $0x3  }
0x26: {  	v0 =	vimm.f32 $0.0e+00;
	s21 =	simm.s32 $0x0;
	[dreg:$0x16] =	wrdreg s0;
	s0 =	sadd.s32 $0x13000, s7  }
.LBB2_15:
0x27: {  	_ =	swait.ge [sflag:s15], $0x2000  }
0x28: {  	[sflag:s15] =	ssyncset.done $0x0  }
0x29: {  	[sflag:s15] =	ssyncadd.s32 $0xFFFFE000  }
0x2a: {  	_ =	swait.ge [sflag:s17], $0x2000  }
0x2b: {  	[sflag:s17] =	ssyncset.done $0x0  }
0x2c: {  	[sflag:s17] =	ssyncadd.s32 $0xFFFFE000  }
0x2d: {  	_ =	swait.ge [sflag:s19], $0x2000  }
0x2e: {  	[sflag:s19] =	ssyncset.done $0x0  }
0x2f: {  	[sflag:s19] =	ssyncadd.s32 $0xFFFFE000  }
0x30: {  	_ =	swait.ge [sflag:s12], $0x2000  }
0x31: {  	[sflag:s12] =	ssyncset.done $0x0  }
0x32: {  	[sflag:s12] =	ssyncadd.s32 $0xFFFFE000  }
0x33: {  	[bflag:$0x0] =	sbarrier.arrive $0xFFFF  }
0x34: {  	s22 =	rddreg [dreg:$0x7]  }
0x35: {  	s3 =	simm.s32 @p0 $0x1FCA;
	s24 =	rddreg [dreg:$0x16]  }
0x36: {  	[hbm:s22], [sflag:s3] =	dma.local @p0 [spmem:s24], $0x1900  }
0x37: {  	s3 =	simm.s32 @p0 $0xA  }
0x38: {  	s22 =	stileid.u32;
	_ =	swait.ge @p0 [sflag:s3], $0x1900  }
0x39: {  	s22 =	sshll.u32 @!p0 s22, $0x6;
	[sflag:s3] =	ssyncset.done @p0 $0x0;
	s24 =	rddreg [dreg:$0x6]  }
0x3a: {  	[sflag:s3] =	ssyncadd.s32 @p0 $0xFFFFE700;
	s3 =	sor.u32 @!p0 $0x1C0A, s22;
	s22 =	sshrl.u32 @!p0 s7, $0x3  }
0x3b: {  	[hbm:s24], [sflag:s3] =	dma.local @!p0 [spmem:s22], $0x2800  }
0x3c: {  	s3 =	simm.s32 @!p0 $0xA  }
0x3d: {  	_ =	swait.ge @!p0 [sflag:s3], $0x2800  }
0x3e: {  	s21 =	sadd.s32 $0x1, s21;
	s31 =	rddreg [dreg:$0x8]  }
0x3f: {  	p1 =	sne.s32 s21, s31  }
.Ltmp1:
0x40: {  	_ = 	snop;
	(pc) =	sbr.rel @!p1 .LBB2_16-.Ltmp1, $3  }
0x41: {  	_ =	sdelay $0x1  }
0x42: {  	[sflag:s3] =	ssyncset.done @!p0 $0x0  }
0x43: {  	s24 =	simm.s32 $0x14000;
	[sflag:s3] =	ssyncadd.s32 @!p0 $0xFFFFD800  }
.LBB2_1:
0x44: {  	s3 =	simm.s32 $0x0;
	s22 =	rddreg [dreg:$0x4]  }
0x45: {  	[tilespmem:s24], [sflag:$0x9] =	stream.linear.gather [hbm4b:s22+s3], $0x400, $0x38;
	[tilespmem:$0x1E000] =	vst v63  }
0x46: {  	s31 =	rddreg [dreg:$0x5];
	s25 =	simm.s32 $0x14800  }
0x47: {  	[tilespmem:s25], [sflag:$0x9] =	stream.linear.gather [hbm4b:s31+s3], $0x400, $0x38;
	[tilespmem:$0x1E000] =	vst v63  }
0x48: {  	s22 =	simm.s32 $0x200;
	s3 =	simm.s32 $0x0  }
.LBB2_2:
0x49: {  	p1 =	sne.s32 s22, $0x3E00;
	[tilespmem:s3+$0x1D070] =	vst v0  }
0x4a: {  	[tilespmem:s3+$0x1D000] =	vst v0  }
0x4b: {  	[tilespmem:s3+$0x1D010] =	vst v0  }
.Ltmp2:
0x4c: {  	[tilespmem:s3+$0x1D020] =	vst v0;
	(pc) =	sbr.rel @p1 .LBB2_2-.Ltmp2, $4  }
0x4d: {  	[tilespmem:s3+$0x1D030] =	vst v0  }
0x4e: {  	[tilespmem:s3+$0x1D040] =	vst v0  }
0x4f: {  	[tilespmem:s3+$0x1D050] =	vst v0  }
0x50: {  	[tilespmem:s3+$0x1D060] =	vst v0;
	s3 =	sshra.s32 s22, $0x2;
	s22 =	sadd.s32 $0x200, s22  }
0x51: {  	[tilespmem:s3+$0x1D070] =	vst v0  }
0x52: {  	[tilespmem:s3+$0x1D000] =	vst v0  }
0x53: {  	[tilespmem:s3+$0x1D010] =	vst v0  }
0x54: {  	[tilespmem:s3+$0x1D020] =	vst v0  }
0x55: {  	[tilespmem:s3+$0x1D030] =	vst v0  }
0x56: {  	[tilespmem:s3+$0x1D040] =	vst v0  }
0x57: {  	[tilespmem:s3+$0x1D050] =	vst v0  }
0x58: {  	[tilespmem:s3+$0x1D060] =	vst v0  }
0x59: {  	[spmem:s7] =	stream.linear.scatter [tilespmem:s4], [sflag:$0xA], $0x1000, $0x38;
	[tilespmem:$0x1E000] =	vst v63  }
0x5a: {  	_ =	swait.ge [sflag:s6], $0x1000  }
0x5b: {  	[sflag:s6] =	ssyncset.done $0x0  }
0x5c: {  	s25 =	rddreg [dreg:$0x9];
	[sflag:s6] =	ssyncadd.s32 $0xFFFFF000  }
0x5d: {  	[spmem:s25] =	stream.linear.scatter [tilespmem:s4], [sflag:$0xA], $0x1000, $0x38;
	[tilespmem:$0x1E000] =	vst v63  }
0x5e: {  	_ =	swait.ge [sflag:s6], $0x1000  }
0x5f: {  	[sflag:s6] =	ssyncset.done $0x0  }
0x60: {  	s26 =	rddreg [dreg:$0xa];
	[sflag:s6] =	ssyncadd.s32 $0xFFFFF000  }
0x61: {  	[spmem:s26] =	stream.linear.scatter [tilespmem:s4], [sflag:$0xA], $0x1000, $0x38;
	[tilespmem:$0x1E000] =	vst v63  }
0x62: {  	_ =	swait.ge [sflag:s6], $0x1000  }
0x63: {  	[sflag:s6] =	ssyncset.done $0x0  }
0x64: {  	s28 =	rddreg [dreg:$0xb];
	[sflag:s6] =	ssyncadd.s32 $0xFFFFF000  }
0x65: {  	[spmem:s28] =	stream.linear.scatter [tilespmem:s4], [sflag:$0xA], $0x1000, $0x38;
	[tilespmem:$0x1E000] =	vst v63  }
0x66: {  	_ =	swait.ge [sflag:s6], $0x1000  }
0x67: {  	[sflag:s6] =	ssyncset.done $0x0  }
0x68: {  	s29 =	rddreg [dreg:$0xc];
	[sflag:s6] =	ssyncadd.s32 $0xFFFFF000  }
0x69: {  	[spmem:s29] =	stream.linear.scatter [tilespmem:s4], [sflag:$0xA], $0x1000, $0x38;
	[tilespmem:$0x1E000] =	vst v63  }
0x6a: {  	_ =	swait.ge [sflag:s6], $0x1000  }
0x6b: {  	[sflag:s6] =	ssyncset.done $0x0  }
0x6c: {  	s30 =	rddreg [dreg:$0xd];
	[sflag:s6] =	ssyncadd.s32 $0xFFFFF000  }
0x6d: {  	[spmem:s30] =	stream.linear.scatter [tilespmem:s4], [sflag:$0xA], $0x1000, $0x38;
	[tilespmem:$0x1E000] =	vst v63  }
0x6e: {  	_ =	swait.ge [sflag:s6], $0x1000  }
0x6f: {  	[sflag:s6] =	ssyncset.done $0x0  }
0x70: {  	s31 =	rddreg [dreg:$0xe];
	[sflag:s6] =	ssyncadd.s32 $0xFFFFF000  }
0x71: {  	[spmem:s31] =	stream.linear.scatter [tilespmem:s4], [sflag:$0xA], $0x1000, $0x38;
	[tilespmem:$0x1E000] =	vst v63  }
0x72: {  	_ =	swait.ge [sflag:s6], $0x1000  }
0x73: {  	[sflag:s6] =	ssyncset.done $0x0  }
0x74: {  	s22 =	rddreg [dreg:$0xf];
	[sflag:s6] =	ssyncadd.s32 $0xFFFFF000  }
0x75: {  	[spmem:s22] =	stream.linear.scatter [tilespmem:s4], [sflag:$0xA], $0x1000, $0x38;
	[tilespmem:$0x1E000] =	vst v63  }
0x76: {  	_ =	swait.ge [sflag:s6], $0x1000  }
0x77: {  	[sflag:s6] =	ssyncset.done $0x0  }
0x78: {  	s25 =	rddreg [dreg:$0x10];
	[sflag:s6] =	ssyncadd.s32 $0xFFFFF000  }
0x79: {  	[spmem:s25] =	stream.linear.scatter [tilespmem:s4], [sflag:$0xA], $0x1000, $0x38;
	[tilespmem:$0x1E000] =	vst v63  }
0x7a: {  	_ =	swait.ge [sflag:s6], $0x1000  }
0x7b: {  	[sflag:s6] =	ssyncset.done $0x0  }
0x7c: {  	s26 =	rddreg [dreg:$0x11];
	[sflag:s6] =	ssyncadd.s32 $0xFFFFF000  }
0x7d: {  	[spmem:s26] =	stream.linear.scatter [tilespmem:s4], [sflag:$0xA], $0x1000, $0x38;
	[tilespmem:$0x1E000] =	vst v63  }
0x7e: {  	_ =	swait.ge [sflag:s6], $0x1000  }
0x7f: {  	[sflag:s6] =	ssyncset.done $0x0  }
0x80: {  	s28 =	rddreg [dreg:$0x12];
	[sflag:s6] =	ssyncadd.s32 $0xFFFFF000  }
0x81: {  	[spmem:s28] =	stream.linear.scatter [tilespmem:s4], [sflag:$0xA], $0x1000, $0x38;
	[tilespmem:$0x1E000] =	vst v63  }
0x82: {  	_ =	swait.ge [sflag:s6], $0x1000  }
0x83: {  	[sflag:s6] =	ssyncset.done $0x0  }
0x84: {  	s29 =	rddreg [dreg:$0x13];
	[sflag:s6] =	ssyncadd.s32 $0xFFFFF000  }
0x85: {  	[spmem:s29] =	stream.linear.scatter [tilespmem:s4], [sflag:$0xA], $0x1000, $0x38;
	[tilespmem:$0x1E000] =	vst v63  }
0x86: {  	_ =	swait.ge [sflag:s6], $0x1000  }
0x87: {  	[sflag:s6] =	ssyncset.done $0x0  }
0x88: {  	s30 =	rddreg [dreg:$0x14];
	[sflag:s6] =	ssyncadd.s32 $0xFFFFF000  }
0x89: {  	[spmem:s30] =	stream.linear.scatter [tilespmem:s4], [sflag:$0xA], $0x1000, $0x38;
	[tilespmem:$0x1E000] =	vst v63  }
0x8a: {  	_ =	swait.ge [sflag:s6], $0x1000  }
0x8b: {  	[sflag:s6] =	ssyncset.done $0x0  }
0x8c: {  	s31 =	rddreg [dreg:$0x15];
	[sflag:s6] =	ssyncadd.s32 $0xFFFFF000  }
0x8d: {  	[spmem:s31] =	stream.linear.scatter [tilespmem:s4], [sflag:$0xA], $0x1000, $0x38;
	[tilespmem:$0x1E000] =	vst v63  }
0x8e: {  	_ =	swait.ge [sflag:s6], $0x1000  }
0x8f: {  	[sflag:s6] =	ssyncset.done $0x0  }
0x90: {  	s22 =	rddreg [dreg:$0x17];
	[sflag:s6] =	ssyncadd.s32 $0xFFFFF000  }
0x91: {  	[spmem:s22] =	stream.linear.scatter [tilespmem:s4], [sflag:$0xA], $0x1000, $0x38;
	[tilespmem:$0x1E000] =	vst v63  }
0x92: {  	_ =	swait.ge [sflag:s6], $0x1000  }
0x93: {  	[sflag:s6] =	ssyncset.done $0x0  }
0x94: {  	s25 =	rddreg [dreg:$0x18];
	[sflag:s6] =	ssyncadd.s32 $0xFFFFF000  }
0x95: {  	[spmem:s25] =	stream.linear.scatter [tilespmem:s4], [sflag:$0xA], $0x1000, $0x38;
	[tilespmem:$0x1E000] =	vst v63  }
0x96: {  	_ =	swait.ge [sflag:s6], $0x1000  }
0x97: {  	[sflag:s6] =	ssyncset.done $0x0  }
0x98: {  	s26 =	rddreg [dreg:$0x19];
	[sflag:s6] =	ssyncadd.s32 $0xFFFFF000  }
0x99: {  	[spmem:s26] =	stream.linear.scatter [tilespmem:s4], [sflag:$0xA], $0x1000, $0x38;
	[tilespmem:$0x1E000] =	vst v63  }
0x9a: {  	_ =	swait.ge [sflag:s6], $0x1000  }
0x9b: {  	[sflag:s6] =	ssyncset.done $0x0  }
0x9c: {  	s28 =	rddreg [dreg:$0x1a];
	[sflag:s6] =	ssyncadd.s32 $0xFFFFF000  }
0x9d: {  	[spmem:s28] =	stream.linear.scatter [tilespmem:s4], [sflag:$0xA], $0x1000, $0x38;
	[tilespmem:$0x1E000] =	vst v63  }
0x9e: {  	_ =	swait.ge [sflag:s6], $0x1000  }
0x9f: {  	[sflag:s6] =	ssyncset.done $0x0  }
0xa0: {  	s29 =	rddreg [dreg:$0x1b];
	[sflag:s6] =	ssyncadd.s32 $0xFFFFF000  }
0xa1: {  	[spmem:s29] =	stream.linear.scatter [tilespmem:s4], [sflag:$0xA], $0x1000, $0x38;
	[tilespmem:$0x1E000] =	vst v63  }
0xa2: {  	_ =	swait.ge [sflag:s6], $0x1000  }
0xa3: {  	[sflag:s6] =	ssyncset.done $0x0  }
0xa4: {  	[sflag:s6] =	ssyncadd.s32 $0xFFFFF000  }
0xa5: {  	[spmem:s0] =	stream.linear.scatter [tilespmem:s4], [sflag:$0xA], $0x1000, $0x38;
	[tilespmem:$0x1E000] =	vst v63  }
0xa6: {  	_ =	swait.ge [sflag:s6], $0x1000  }
0xa7: {  	[sflag:s6] =	ssyncset.done $0x0  }
0xa8: {  	[sflag:s6] =	ssyncadd.s32 $0xFFFFF000  }
0xa9: {  	[bflag:$0x0] =	sbarrier.arrive $0xFFFF  }
0xaa: {  	_ =	swait.ge [sflag:s8], $0x400  }
0xab: {  	[sflag:s8] =	ssyncset.done $0x0  }
0xac: {  	[sflag:s8] =	ssyncadd.s32 $0xFFFFFC00  }
0xad: {  	_ =	swait.ge [sflag:s8], $0x400  }
0xae: {  	[sflag:s8] =	ssyncset.done $0x0  }
0xaf: {  	[sflag:s8] =	ssyncadd.s32 $0xFFFFFC00  }
0xb0: {  	[tilespmem:s5], [sflag:$0x1] =	stream.indirect.gather [hbm4b:s1+s9], $0x80, s24, s9, $0xb8;
	[tilespmem:$0x1E000] =	vst v63  }
.Ltmp3:
0xb1: {  	_ = 	snop;
	(pc) =	sbr.rel .LBB2_4-.Ltmp3, $4  }
0xb2: {  	s30 =	simm.s32 $0x14080;
	s31 =	simm.s32 $0x14100  }
0xb3: {  	[tilespmem:s10], [sflag:$0x2] =	stream.indirect.gather [hbm4b:s1+s9], $0x80, s30, s9, $0xb8;
	[tilespmem:$0x1E000] =	vst v63  }
0xb4: {  	s22 =	simm.s32 $0xFFFFFFFC;
	s25 =	simm.s32 $0x0;
	s24 =	simm.s32 $0x0  }
0xb5: {  	[tilespmem:s11], [sflag:$0x3] =	stream.indirect.gather [hbm4b:s1+s9], $0x80, s31, s9, $0xb8;
	[tilespmem:$0x1E000] =	vst v63  }
.LBB2_11:
0xb6: {  	_ =	swait.ge [sflag:s19], $0x2000  }
0xb7: {  	[sflag:s19] =	ssyncset.done $0x0  }
0xb8: {  	[sflag:s19] =	ssyncadd.s32 $0xFFFFE000  }
.LBB2_13:
0xb9: {  	s26 =	sadd.s32 $0x100, s26  }
0xba: {  	[tilespmem:s11], [sflag:$0x3] =	stream.indirect.gather [hbm4b:s1+s9], $0x80, s26, s9, $0xb8;
	[tilespmem:$0x1E000] =	vst v63  }
.LBB2_14:
0xbb: {  	s24 =	sadd.s32 $0x80, s24  }
0xbc: {  	p1 =	seq.s32 s24, $0xA00  }
.Ltmp4:
0xbd: {  	_ = 	snop;
	(pc) =	sbr.rel @p1 .LBB2_15-.Ltmp4, $4  }
0xbe: {  	_ =	swait.ge [sflag:s20], $0x2000  }
0xbf: {  	s3 =	sadd.s32 $0x380, s3;
	[sflag:s20] =	ssyncset.done $0x0  }
0xc0: {  	s22 =	sadd.s32 $0x8, s22;
	s25 =	sadd.s32 $0x1, s25;
	[sflag:s20] =	ssyncadd.s32 $0xFFFFE000  }
0xc1: {  	[spmem:s2] =	stream.indirect.scatter.add.f32 [tilespmem:s13], [sflag:$0x8], $0x80, s3, s9, $0xb8;
	[tilespmem:$0x1E000] =	vst v63  }
.LBB2_4:
0xc2: {  	p1 =	seq.s32 s24, $0x980  }
0xc3: {  	s3 =	sand.u32 @!p1 $0x1, s25  }
0xc4: {  	s29 =	sadd.s32 @!p1 s24, s23;
	p2 =	sgt.u32 @!p1 s22, $0x9B;
	s26 =	sxor.u32 @!p1 $0x1, s3  }
0xc5: {  	s31 =	simm.s32 @!p1 $0x0;
	p2 =	por p1, !p2;
	s28 =	sshll.u32 @!p1 s26, $0xA  }
.Ltmp5:
0xc6: {  	s30 =	sadd.s32 @!p1 $0x80, s29;
	s26 =	sor.u32 @!p1 $0x14000, s28;
	(pc) =	sbr.rel @!p2 .LBB2_6-.Ltmp5, $4  }
0xc7: {  	[tilespmem:s26], [sflag:$0x9] =	stream.linear.gather @!p1 [hbm4b:s30+s31], $0x400, $0x38;
	[tilespmem:$0x1E000] =	vst v63  }
0xc8: {  	s29 =	sadd.s32 @!p1 $0x14080, s29;
	s3 =	sshll.u32 @!p1 s3, $0xA;
	s28 =	sor.u32 @!p1 $0x14800, s28  }
0xc9: {  	[tilespmem:s28], [sflag:$0x9] =	stream.linear.gather @!p1 [hbm4b:s29+s31], $0x400, $0x38;
	[tilespmem:$0x1E000] =	vst v63  }
0xca: {  	s28 =	sor.u32 @!p1 $0x14000, s3;
	s3 =	sor.u32 @!p1 $0x14800, s3  }
0xcb: {  	_ =	swait.ge [sflag:s12], $0x2000  }
0xcc: {  	s3 =	simm.s32 @p1 $0x14C00;
	[sflag:s12] =	ssyncset.done $0x0  }
0xcd: {  	s28 =	simm.s32 @p1 $0x14400;
	s26 =	simm.s32 @p1 $0x14000;
	[sflag:s12] =	ssyncadd.s32 $0xFFFFE000  }
.LBB2_6:
0xce: {  	s29 =	sadd.s32 $0x180, s28  }
0xcf: {  	[tilespmem:s13], [sflag:$0x4] =	stream.indirect.gather [hbm4b:s1+s9], $0x80, s29, s9, $0xb8;
	[tilespmem:$0x1E000] =	vst v63  }
0xd0: {  	_ =	swait.ge [sflag:s14], $0x2000  }
0xd1: {  	[sflag:s14] =	ssyncset.done $0x0  }
0xd2: {  	[sflag:s14] =	ssyncadd.s32 $0xFFFFE000  }
0xd3: {  	[spmem:s2] =	stream.indirect.scatter.add.f32 [tilespmem:s5], [sflag:$0x5], $0x80, s3, s9, $0xb8;
	[tilespmem:$0x1E000] =	vst v63  }
0xd4: {  	_ =	swait.ge [sflag:s15], $0x2000  }
0xd5: {  	[sflag:s15] =	ssyncset.done $0x0  }
0xd6: {  	s30 =	sadd.s32 $0x200, s28;
	[sflag:s15] =	ssyncadd.s32 $0xFFFFE000  }
0xd7: {  	[tilespmem:s5], [sflag:$0x1] =	stream.indirect.gather [hbm4b:s1+s9], $0x80, s30, s9, $0xb8;
	[tilespmem:$0x1E000] =	vst v63  }
0xd8: {  	_ =	swait.ge [sflag:s16], $0x2000  }
0xd9: {  	[sflag:s16] =	ssyncset.done $0x0  }
0xda: {  	s31 =	sadd.s32 $0x80, s3;
	[sflag:s16] =	ssyncadd.s32 $0xFFFFE000  }
0xdb: {  	[spmem:s2] =	stream.indirect.scatter.add.f32 [tilespmem:s10], [sflag:$0x6], $0x80, s31, s9, $0xb8;
	[tilespmem:$0x1E000] =	vst v63  }
0xdc: {  	_ =	swait.ge [sflag:s17], $0x2000  }
0xdd: {  	[sflag:s17] =	ssyncset.done $0x0  }
0xde: {  	s30 =	sadd.s32 $0x280, s28;
	[sflag:s17] =	ssyncadd.s32 $0xFFFFE000  }
0xdf: {  	[tilespmem:s10], [sflag:$0x2] =	stream.indirect.gather [hbm4b:s1+s9], $0x80, s30, s9, $0xb8;
	[tilespmem:$0x1E000] =	vst v63  }
0xe0: {  	_ =	swait.ge [sflag:s18], $0x2000  }
0xe1: {  	[sflag:s18] =	ssyncset.done $0x0  }
0xe2: {  	s31 =	sadd.s32 $0x100, s3;
	[sflag:s18] =	ssyncadd.s32 $0xFFFFE000  }
0xe3: {  	[spmem:s2] =	stream.indirect.scatter.add.f32 [tilespmem:s11], [sflag:$0x7], $0x80, s31, s9, $0xb8;
	[tilespmem:$0x1E000] =	vst v63  }
0xe4: {  	_ =	swait.ge [sflag:s19], $0x2000  }
0xe5: {  	[sflag:s19] =	ssyncset.done $0x0  }
0xe6: {  	s30 =	sadd.s32 $0x300, s28;
	[sflag:s19] =	ssyncadd.s32 $0xFFFFE000  }
0xe7: {  	[tilespmem:s11], [sflag:$0x3] =	stream.indirect.gather [hbm4b:s1+s9], $0x80, s30, s9, $0xb8;
	[tilespmem:$0x1E000] =	vst v63  }
0xe8: {  	_ =	swait.ge [sflag:s20], $0x2000  }
0xe9: {  	[sflag:s20] =	ssyncset.done $0x0  }
0xea: {  	s31 =	sadd.s32 $0x180, s3;
	[sflag:s20] =	ssyncadd.s32 $0xFFFFE000  }
0xeb: {  	[spmem:s2] =	stream.indirect.scatter.add.f32 [tilespmem:s13], [sflag:$0x8], $0x80, s31, s9, $0xb8;
	[tilespmem:$0x1E000] =	vst v63  }
0xec: {  	_ =	swait.ge [sflag:s12], $0x2000  }
0xed: {  	[sflag:s12] =	ssyncset.done $0x0  }
0xee: {  	s29 =	sadd.s32 $0x380, s28;
	[sflag:s12] =	ssyncadd.s32 $0xFFFFE000  }
0xef: {  	[tilespmem:s13], [sflag:$0x4] =	stream.indirect.gather [hbm4b:s1+s9], $0x80, s29, s9, $0xb8;
	[tilespmem:$0x1E000] =	vst v63  }
0xf0: {  	_ =	swait.ge [sflag:s14], $0x2000  }
0xf1: {  	[sflag:s14] =	ssyncset.done $0x0  }
0xf2: {  	s28 =	simm.s32 @!p1 $0x9;
	s30 =	sadd.s32 $0x200, s3;
	[sflag:s14] =	ssyncadd.s32 $0xFFFFE000  }
0xf3: {  	[spmem:s2] =	stream.indirect.scatter.add.f32 [tilespmem:s5], [sflag:$0x5], $0x80, s30, s9, $0xb8;
	[tilespmem:$0x1E000] =	vst v63  }
0xf4: {  	_ =	swait.ge @!p1 [sflag:s28], $0x400  }
0xf5: {  	[sflag:s28] =	ssyncset.done @!p1 $0x0  }
0xf6: {  	[sflag:s28] =	ssyncadd.s32 @!p1 $0xFFFFFC00  }
0xf7: {  	p2 =	sgt.u32 @!p1 s25, $0x12;
	_ =	swait.ge @!p1 [sflag:s28], $0x400  }
0xf8: {  	p2 =	por p2, p1;
	[sflag:s28] =	ssyncset.done @!p1 $0x0  }
0xf9: {  	[sflag:s28] =	ssyncadd.s32 @!p1 $0xFFFFFC00;
	s28 =	simm.s32 @!p2 $0x5  }
0xfa: {  	_ =	swait.ge @!p2 [sflag:s28], $0x2000  }
0xfb: {  	s29 =	simm.s32 @!p1 $0x15000;
	[sflag:s28] =	ssyncset.done @!p2 $0x0  }
0xfc: {  	[sflag:s28] =	ssyncadd.s32 @!p2 $0xFFFFE000;
	s28 =	simm.s32 @!p1 $0x40;
	p2 =	sgt.u32 s25, $0x12  }
0xfd: {  	[tilespmem:s29], [sflag:$0x1] =	stream.indirect.gather @!p1 [hbm4b:s1+s28], $0x80, s26, s28, $0xb8;
	[tilespmem:$0x1E000] =	vst v63  }
.Ltmp6:
0xfe: {  	_ = 	snop;
	(pc) =	sbr.rel @p2 .LBB2_8-.Ltmp6, $4  }
0xff: {  	_ =	swait.ge [sflag:s16], $0x2000  }
0x100: {  	[sflag:s16] =	ssyncset.done $0x0  }
0x101: {  	s31 =	sadd.s32 $0x280, s3;
	[sflag:s16] =	ssyncadd.s32 $0xFFFFE000  }
0x102: {  	[spmem:s2] =	stream.indirect.scatter.add.f32 [tilespmem:s10], [sflag:$0x6], $0x80, s31, s9, $0xb8;
	[tilespmem:$0x1E000] =	vst v63  }
.Ltmp7:
0x103: {  	(pc) =	sbr.rel .LBB2_9-.Ltmp7, $4  }
0x104: {  	_ = 	snop  }
0x105: {  	_ =	swait.ge [sflag:s17], $0x2000  }
0x106: {  	[sflag:s17] =	ssyncset.done $0x0  }
0x107: {  	[sflag:s17] =	ssyncadd.s32 $0xFFFFE000  }
.LBB2_8:
.Ltmp8:
0x108: {  	(pc) =	sbr.rel @p1 .LBB2_10-.Ltmp8, $1  }
0x109: {  	_ =	sdelay $0x3  }
.LBB2_9:
0x10a: {  	s28 =	sadd.s32 $0x80, s26  }
0x10b: {  	[tilespmem:s10], [sflag:$0x2] =	stream.indirect.gather [hbm4b:s1+s9], $0x80, s28, s9, $0xb8;
	[tilespmem:$0x1E000] =	vst v63  }
.LBB2_10:
.Ltmp9:
0x10c: {  	(pc) =	sbr.rel @!p2 .LBB2_11-.Ltmp9, $4  }
0x10d: {  	_ =	swait.ge [sflag:s18], $0x2000  }
0x10e: {  	[sflag:s18] =	ssyncset.done $0x0  }
0x10f: {  	s28 =	sadd.s32 $0x300, s3;
	[sflag:s18] =	ssyncadd.s32 $0xFFFFE000  }
0x110: {  	[spmem:s2] =	stream.indirect.scatter.add.f32 [tilespmem:s11], [sflag:$0x7], $0x80, s28, s9, $0xb8;
	[tilespmem:$0x1E000] =	vst v63  }
.Ltmp10:
0x111: {  	(pc) =	sbr.rel @p1 .LBB2_14-.Ltmp10, $4  }
.Ltmp11:
0x112: {  	(pc) =	sbr.rel @!p1 .LBB2_13-.Ltmp11, $4  }
0x113: {  	_ = 	snop  }
0x114: {  	_ = 	snop  }
0x115: {  	_ = 	snop  }
0x116: {  	_ = 	snop  }
.LBB2_16:
0x117: {  	_ =	sfence.sel $0x180000  }
0x118: {  	[bflag:$0x0] =	sbarrier.arrive $0xFFFF  }
0x119: {  	_ =	strace $0x90000047  }
0x11a: {  	s0 =	stileid.u32;
	[bflag:$0x2] =	sbarrier.arrive $0xFFFF  }
0x11b: {  	p0 =	sne.s32 s0, $0x0;
	s0 =	rddreg [dreg:$0x3]  }
0x11c: {  	s0 =	sadd.s32 @!p0 $0x100000, s0  }
0x11d: {  	[sflag:s0] =	ssyncadd.tile.s32 @!p0 $0x1;
	_ =	shalt  }
.Lfunc_end2:
_tile_overlayer_lowered:
.L_overlay_start_2:
0x11e: {  	(tag) =	ssettag $0x2  }
0x11f: {  	s0 =	rddreg [dreg:$0x0];
	s2 =	stileid.u32  }
0x120: {  	s1 =	rddreg [dreg:$0x1];
	p0 =	sne.s32 s2, $0x0  }
0x121: {  	s3 =	rddreg [dreg:$0x2];
	[bflag:$0x3] =	sbarrier.arrive $0xFFFF;
	s2 =	simm.s32 @!p0 $0x1C0A  }
0x122: {  	[timem:s3], [sflag:s2] =	dma.local @!p0 [hbm:s0], s1  }
0x123: {  	s0 =	simm.s32 @!p0 $0xA  }
0x124: {  	_ =	swait.ge @!p0 [sflag:s0], s1  }
0x125: {  	s1 =	ssub.s32 @!p0 $0x0, s1;
	[sflag:s0] =	ssyncset.done @!p0 $0x0  }
0x126: {  	[sflag:s0] =	ssyncadd.s32 @!p0 s1  }
0x127: {  	[bflag:$0x3] =	sbarrier.arrive $0xFFFF  }
0x128: {  	_ =	shalt  }

</sc_bundles>
